<compile_context>
chip_gen: v7x
topology: tpu7x:2x2x1
jax: 0.10.2.dev20260603
libtpu: 0.0.44.dev20260713+nightly
codegen_flags: <defaults>
</compile_context>

<pallas_src>
import functools

import jax
import jax.numpy as jnp
from jax import lax
from jax.experimental import pallas as pl
from jax.experimental.pallas import tpu as pltpu
from jax.experimental.pallas import tpu_sc as plsc

GENE_NUM = 100000
D = 32
N = 16384
NC = 2
NS = 16
L = 16
NW = NC * NS
RPW = N // NW
CH = 128
NCH = RPW // CH


def _sc_body(we_hbm, be_hbm, wm_hbm, bm_hbm, pos_hbm, exp_hbm, flg_hbm,
             out_hbm,
             pos_v, exp_v, flg_v, idx2_v, we_v, be_v, wm_v, bm_v, out_v,
             sem0, sem1, sem2, sem3):
    wid = lax.axis_index("s") * NC + lax.axis_index("c")
    base = wid * RPW

    pltpu.sync_copy(pos_hbm.at[pl.ds(base, RPW)], pos_v)
    pltpu.sync_copy(flg_hbm.at[pl.ds(base, RPW)], flg_v)
    pltpu.sync_copy(exp_hbm.at[pl.ds(base, RPW)], exp_v)

    def mk_idx(i, carry):
        sl = pl.ds(i * L, L)
        idx2_v[sl] = pos_v[sl] * 2 + flg_v[sl].astype(jnp.int32)
        return carry
    lax.fori_loop(0, RPW // L, mk_idx, 0)

    copies = []
    for c in range(NCH):
        s = pl.ds(c * CH, CH)
        copies.append(pltpu.async_copy(we_hbm.at[pos_v.at[s]], we_v.at[s], sem0))
        copies.append(pltpu.async_copy(be_hbm.at[pos_v.at[s]], be_v.at[s], sem1))
        copies.append(pltpu.async_copy(wm_hbm.at[idx2_v.at[s]], wm_v.at[s], sem2))
        copies.append(pltpu.async_copy(bm_hbm.at[pos_v.at[s]], bm_v.at[s], sem3))
    for cp in copies:
        cp.wait()

    h0, h1 = pl.ds(0, L), pl.ds(L, L)

    def grp(g, carry):
        ev = exp_v[pl.ds(g * L, L)]
        for j in range(L):
            r = g * L + j
            e = ev[j]
            out_v[r, h0] = we_v[r, h0] * e + be_v[r, h0]
            out_v[r, h1] = we_v[r, h1] * e + be_v[r, h1]
            out_v[r, pl.ds(2 * L, L)] = wm_v[r, h0] + bm_v[r, h0]
            out_v[r, pl.ds(3 * L, L)] = wm_v[r, h1] + bm_v[r, h1]
        return carry
    lax.fori_loop(0, RPW // L, grp, 0)

    pltpu.sync_copy(out_v, out_hbm.at[pl.ds(base, RPW)])


_sc_kernel = functools.partial(
    pl.kernel,
    mesh=plsc.VectorSubcoreMesh(core_axis_name="c", subcore_axis_name="s"),
    out_type=jax.ShapeDtypeStruct((N, 2 * D), jnp.float32),
    scratch_types=[
        pltpu.VMEM((RPW,), jnp.int32),
        pltpu.VMEM((RPW,), jnp.float32),
        pltpu.VMEM((RPW,), jnp.float32),
        pltpu.VMEM((RPW,), jnp.int32),
        pltpu.VMEM((RPW, D), jnp.float32),
        pltpu.VMEM((RPW, D), jnp.float32),
        pltpu.VMEM((RPW, D), jnp.float32),
        pltpu.VMEM((RPW, D), jnp.float32),
        pltpu.VMEM((RPW, 2 * D), jnp.float32),
        pltpu.SemaphoreType.DMA,
        pltpu.SemaphoreType.DMA,
        pltpu.SemaphoreType.DMA,
        pltpu.SemaphoreType.DMA,
    ],
    compiler_params=pltpu.CompilerParams(use_tc_tiling_on_sc=False),
)(_sc_body)


def kernel(x, pos, weight_exp, bias_exp, weight_mu, bias_mu):
    pos32 = pos.astype(jnp.int32)
    exp_col = x[:, 0]
    flg_col = x[:, 1]
    wm2 = weight_mu.reshape(2 * GENE_NUM, D)
    return _sc_kernel(weight_exp, bias_exp, wm2, bias_mu, pos32,
                      exp_col, flg_col)

# --- scband reference (transcript-rebuilt; emitter-appended) ---
"""Pipeline reference for scband-gene-encoder-55396488184239 (READ-ONLY COPY).

The authoritative reference and input builder live on the scoring server;
editing this copy changes nothing except your own understanding.
"""

import jax, jax.numpy as jnp
import numpy as np

GENE_NUM = 100000
EMB_DIM = 32  # gene_hidden_dim // 2
N = 16384

def setup_inputs(seed: int = 0) -> dict:
    key = jax.random.key(seed)
    k1, k2, k3, k4, k5, k6 = jax.random.split(key, 6)
    x = jax.random.uniform(k1, (N, 2), dtype=jnp.float32)
    pos = jax.random.randint(k2, (N,), 0, GENE_NUM, dtype=jnp.int64)
    # xavier_normal-ish init for parameter tables
    std2 = float(np.sqrt(2.0 / (GENE_NUM + EMB_DIM)))
    std3 = float(np.sqrt(2.0 / (2 + EMB_DIM)))
    weight_exp = jax.random.normal(k3, (GENE_NUM, EMB_DIM), dtype=jnp.float32) * std2
    bias_exp = jax.random.normal(k4, (GENE_NUM, EMB_DIM), dtype=jnp.float32) * std2
    weight_mu = jax.random.normal(k5, (GENE_NUM, 2, EMB_DIM), dtype=jnp.float32) * std3
    bias_mu = jax.random.normal(k6, (GENE_NUM, EMB_DIM), dtype=jnp.float32) * std2
    return {"x": x, "pos": pos, "weight_exp": weight_exp, "bias_exp": bias_exp,
            "weight_mu": weight_mu, "bias_mu": bias_mu}

def reference(x, pos, weight_exp, bias_exp, weight_mu, bias_mu):
    # mu: one-hot of mutation flag, shape (N, 1, 2)
    mu = jax.nn.one_hot(x[..., 1].astype(jnp.int32), 2, dtype=jnp.float32)[:, None, :]
    # exp: expression value, shape (N, 1)
    exp = x[..., 0][..., None]
    exp_weight_embedding = jnp.take(weight_exp, pos, axis=0)      # (N, D)
    exp_bias_embedding = jnp.take(bias_exp, pos, axis=0)          # (N, D)
    mu_weight_embedding = jnp.matmul(mu, jnp.take(weight_mu, pos, axis=0)).squeeze(1)  # (N, D)
    mu_bias_embedding = jnp.take(bias_mu, pos, axis=0)            # (N, D)
    exp_embedding = exp_weight_embedding * exp + exp_bias_embedding
    mu_embedding = mu_weight_embedding + mu_bias_embedding
    embedding = jnp.concatenate([exp_embedding, mu_embedding], axis=-1)  # (N, 2D)
    return embedding

if __name__ == "__main__":
    import jax
    _d = setup_inputs()
    print(jax.jit(kernel)(*tuple(_d.values())))

</pallas_src>

<mosaic_0001>
#map = affine_map<(d0, d1) -> (0, 0)>
#map1 = affine_map<(d0, d1) -> (0)>
module attributes {stable_mosaic.version = 14 : i64} {
  func.func @_sc_body(%arg0: i32, %arg1: i32, %arg2: memref<100000x32xf32, #tpu.memory_space<hbm>>, %arg3: memref<100000x32xf32, #tpu.memory_space<hbm>>, %arg4: memref<200000x32xf32, #tpu.memory_space<hbm>>, %arg5: memref<100000x32xf32, #tpu.memory_space<hbm>>, %arg6: memref<16384xi32, #tpu.memory_space<hbm>>, %arg7: memref<16384xf32, #tpu.memory_space<hbm>>, %arg8: memref<16384xf32, #tpu.memory_space<hbm>>, %arg9: memref<16384x64xf32, #tpu.memory_space<hbm>>, %arg10: memref<512xi32, #tpu.memory_space<vmem>>, %arg11: memref<512xf32, #tpu.memory_space<vmem>>, %arg12: memref<512xf32, #tpu.memory_space<vmem>>, %arg13: memref<512xi32, #tpu.memory_space<vmem>>, %arg14: memref<512x32xf32, #tpu.memory_space<vmem>>, %arg15: memref<512x32xf32, #tpu.memory_space<vmem>>, %arg16: memref<512x32xf32, #tpu.memory_space<vmem>>, %arg17: memref<512x32xf32, #tpu.memory_space<vmem>>, %arg18: memref<512x64xf32, #tpu.memory_space<vmem>>, %arg19: memref<!tpu.dma_semaphore, #tpu.memory_space<semaphore_mem>>, %arg20: memref<!tpu.dma_semaphore, #tpu.memory_space<semaphore_mem>>, %arg21: memref<!tpu.dma_semaphore, #tpu.memory_space<semaphore_mem>>, %arg22: memref<!tpu.dma_semaphore, #tpu.memory_space<semaphore_mem>>) attributes {dimension_semantics = [#tpu.dimension_semantics<core_parallel>, #tpu.dimension_semantics<subcore_parallel>], iteration_bounds = array<i64: 2, 16>, scalar_prefetch = 0 : i64, scratch_operands = 13 : i64, tpu.core_type = #tpu.core_type<sc_vector_subcore>, window_params = [{transform_indices = #map}, {transform_indices = #map}, {transform_indices = #map}, {transform_indices = #map}, {transform_indices = #map1}, {transform_indices = #map1}, {transform_indices = #map1}, {transform_indices = #map}]} {
    %mul3A = arith.constant 2 : i32
    %mul3A_0 = arith.muli %arg1, %mul3A : i32
    %add3A = arith.addi %mul3A_0, %arg0 : i32
    %mul3A_1 = arith.constant 512 : i32
    %mul3A_2 = arith.muli %add3A, %mul3A_1 : i32
    "tpu.region"() ({
      %run_scoped3A = tpu.sem_alloc : memref<!tpu.dma_semaphore, #tpu.memory_space<semaphore_mem>>
      %dma_start3A_268 = tpu.memref_slice %arg6[%mul3A_2] : memref<16384xi32, #tpu.memory_space<hbm>> -> memref<512xi32, #tpu.memory_space<hbm>>
      %dma_start3A_269 = tpu.memref_slice %arg6[%mul3A_2] : memref<16384xi32, #tpu.memory_space<hbm>> -> memref<512xi32, #tpu.memory_space<hbm>>
      tpu.enqueue_dma source(%dma_start3A_269 : memref<512xi32, #tpu.memory_space<hbm>>) target(%arg10 : memref<512xi32, #tpu.memory_space<vmem>>) target_semaphore(%run_scoped3A : memref<!tpu.dma_semaphore, #tpu.memory_space<semaphore_mem>>)
      %dma_wait3A_270 = tpu.memref_slice %arg6[%mul3A_2] : memref<16384xi32, #tpu.memory_space<hbm>> -> memref<512xi32, #tpu.memory_space<hbm>>
      %dma_wait3A_271 = tpu.memref_slice %arg6[%mul3A_2] : memref<16384xi32, #tpu.memory_space<hbm>> -> memref<512xi32, #tpu.memory_space<hbm>>
      tpu.wait_dma2 semaphore(%run_scoped3A : memref<!tpu.dma_semaphore, #tpu.memory_space<semaphore_mem>>) src(%dma_wait3A_271 : memref<512xi32, #tpu.memory_space<hbm>>) dst(%arg10 : memref<512xi32, #tpu.memory_space<vmem>>)
      tpu.yield
    }) : () -> ()
    "tpu.region"() ({
      %run_scoped3A = tpu.sem_alloc : memref<!tpu.dma_semaphore, #tpu.memory_space<semaphore_mem>>
      %dma_start3A_268 = tpu.memref_slice %arg8[%mul3A_2] : memref<16384xf32, #tpu.memory_space<hbm>> -> memref<512xf32, #tpu.memory_space<hbm>>
      %dma_start3A_269 = tpu.memref_slice %arg8[%mul3A_2] : memref<16384xf32, #tpu.memory_space<hbm>> -> memref<512xf32, #tpu.memory_space<hbm>>
      tpu.enqueue_dma source(%dma_start3A_269 : memref<512xf32, #tpu.memory_space<hbm>>) target(%arg12 : memref<512xf32, #tpu.memory_space<vmem>>) target_semaphore(%run_scoped3A : memref<!tpu.dma_semaphore, #tpu.memory_space<semaphore_mem>>)
      %dma_wait3A_270 = tpu.memref_slice %arg8[%mul3A_2] : memref<16384xf32, #tpu.memory_space<hbm>> -> memref<512xf32, #tpu.memory_space<hbm>>
      %dma_wait3A_271 = tpu.memref_slice %arg8[%mul3A_2] : memref<16384xf32, #tpu.memory_space<hbm>> -> memref<512xf32, #tpu.memory_space<hbm>>
      tpu.wait_dma2 semaphore(%run_scoped3A : memref<!tpu.dma_semaphore, #tpu.memory_space<semaphore_mem>>) src(%dma_wait3A_271 : memref<512xf32, #tpu.memory_space<hbm>>) dst(%arg12 : memref<512xf32, #tpu.memory_space<vmem>>)
      tpu.yield
    }) : () -> ()
    "tpu.region"() ({
      %run_scoped3A = tpu.sem_alloc : memref<!tpu.dma_semaphore, #tpu.memory_space<semaphore_mem>>
      %dma_start3A_268 = tpu.memref_slice %arg7[%mul3A_2] : memref<16384xf32, #tpu.memory_space<hbm>> -> memref<512xf32, #tpu.memory_space<hbm>>
      %dma_start3A_269 = tpu.memref_slice %arg7[%mul3A_2] : memref<16384xf32, #tpu.memory_space<hbm>> -> memref<512xf32, #tpu.memory_space<hbm>>
      tpu.enqueue_dma source(%dma_start3A_269 : memref<512xf32, #tpu.memory_space<hbm>>) target(%arg11 : memref<512xf32, #tpu.memory_space<vmem>>) target_semaphore(%run_scoped3A : memref<!tpu.dma_semaphore, #tpu.memory_space<semaphore_mem>>)
      %dma_wait3A_270 = tpu.memref_slice %arg7[%mul3A_2] : memref<16384xf32, #tpu.memory_space<hbm>> -> memref<512xf32, #tpu.memory_space<hbm>>
      %dma_wait3A_271 = tpu.memref_slice %arg7[%mul3A_2] : memref<16384xf32, #tpu.memory_space<hbm>> -> memref<512xf32, #tpu.memory_space<hbm>>
      tpu.wait_dma2 semaphore(%run_scoped3A : memref<!tpu.dma_semaphore, #tpu.memory_space<semaphore_mem>>) src(%dma_wait3A_271 : memref<512xf32, #tpu.memory_space<hbm>>) dst(%arg11 : memref<512xf32, #tpu.memory_space<vmem>>)
      tpu.yield
    }) : () -> ()
    %scan3A = arith.constant 0 : i32
    %scan3A_3 = arith.constant 0 : i32
    %scan3A_4 = arith.constant 32 : i32
    %scan3A_5 = arith.addi %scan3A_3, %scan3A_4 : i32
    %scan3A_6 = arith.constant 1 : i32
    scf.for %scan3A_268 = %scan3A_3 to %scan3A_5 step %scan3A_6  : i32 {
      %mul3A_269 = arith.constant 16 : i32
      %mul3A_270 = arith.muli %scan3A_268, %mul3A_269 : i32
      %get3A = arith.index_cast %mul3A_270 : i32 to index
      %get3A_271 = tpu.vector_load %arg10[%get3A] {strides = array<i32>} : memref<512xi32, #tpu.memory_space<vmem>>, vector<16xi32>,
      %get3A_272 = vector.shape_cast %get3A_271 : vector<16xi32> to vector<16xi32>
      %mul3A_273 = arith.constant 2 : i32
      %mul3A_274 = vector.broadcast %mul3A_273 : i32 to vector<16xi32>
      %mul3A_275 = arith.muli %get3A_272, %mul3A_274 : vector<16xi32>
      %get3A_276 = arith.index_cast %mul3A_270 : i32 to index
      %get3A_277 = tpu.vector_load %arg12[%get3A_276] {strides = array<i32>} : memref<512xf32, #tpu.memory_space<vmem>>, vector<16xf32>,
      %get3A_278 = vector.shape_cast %get3A_277 : vector<16xf32> to vector<16xf32>
      %convert_element_type3A = arith.fptosi %get3A_278 : vector<16xf32> to vector<16xi32>
      %add3A_279 = arith.addi %mul3A_275, %convert_element_type3A : vector<16xi32>
      %swap3A = arith.index_cast %mul3A_270 : i32 to index
      %swap3A_280 = tpu.vector_load %arg13[%swap3A] {strides = array<i32>} : memref<512xi32, #tpu.memory_space<vmem>>, vector<16xi32>,
      %swap3A_281 = vector.shape_cast %swap3A_280 : vector<16xi32> to vector<16xi32>
      %swap3A_282 = vector.shape_cast %add3A_279 : vector<16xi32> to vector<16xi32>
      tpu.vector_store %arg13[%swap3A], %swap3A_282 {strides = array<i32>} : memref<512xi32, #tpu.memory_space<vmem>>, vector<16xi32>,
    }
    %scan3A_7 = arith.constant 32 : i32
    %dma_start3A = arith.constant 0 : i32
    %dma_start3A_8 = arith.constant 0 : i32
    %dma_start3A_9 = tpu.memref_slice %arg14[%dma_start3A, %dma_start3A_8] : memref<512x32xf32, #tpu.memory_space<vmem>> -> memref<128x32xf32, #tpu.memory_space<vmem>>
    %dma_start3A_10 = arith.constant 0 : i32
    %dma_start3A_11 = tpu.memref_slice %arg10[%dma_start3A_10] : memref<512xi32, #tpu.memory_space<vmem>> -> memref<128xi32, #tpu.memory_space<vmem>>
    %dma_start3A_12 = arith.constant 0 : i32
    %dma_start3A_13 = arith.constant 0 : i32
    %dma_start3A_14 = tpu.memref_slice %arg2[%dma_start3A_12, %dma_start3A_13] : memref<100000x32xf32, #tpu.memory_space<hbm>> -> memref<100000x32xf32, #tpu.memory_space<hbm>>
    tpu.enqueue_indirect_dma source(%dma_start3A_14 : memref<100000x32xf32, #tpu.memory_space<hbm>>) target(%dma_start3A_9 : memref<128x32xf32, #tpu.memory_space<vmem>>) offsets(%dma_start3A_11 : memref<128xi32, #tpu.memory_space<vmem>>) semaphore(%arg19 : memref<!tpu.dma_semaphore, #tpu.memory_space<semaphore_mem>>)
    %dma_start3A_15 = arith.constant 0 : i32
    %dma_start3A_16 = arith.constant 0 : i32
    %dma_start3A_17 = tpu.memref_slice %arg15[%dma_start3A_15, %dma_start3A_16] : memref<512x32xf32, #tpu.memory_space<vmem>> -> memref<128x32xf32, #tpu.memory_space<vmem>>
    %dma_start3A_18 = arith.constant 0 : i32
    %dma_start3A_19 = tpu.memref_slice %arg10[%dma_start3A_18] : memref<512xi32, #tpu.memory_space<vmem>> -> memref<128xi32, #tpu.memory_space<vmem>>
    %dma_start3A_20 = arith.constant 0 : i32
    %dma_start3A_21 = arith.constant 0 : i32
    %dma_start3A_22 = tpu.memref_slice %arg3[%dma_start3A_20, %dma_start3A_21] : memref<100000x32xf32, #tpu.memory_space<hbm>> -> memref<100000x32xf32, #tpu.memory_space<hbm>>
    tpu.enqueue_indirect_dma source(%dma_start3A_22 : memref<100000x32xf32, #tpu.memory_space<hbm>>) target(%dma_start3A_17 : memref<128x32xf32, #tpu.memory_space<vmem>>) offsets(%dma_start3A_19 : memref<128xi32, #tpu.memory_space<vmem>>) semaphore(%arg20 : memref<!tpu.dma_semaphore, #tpu.memory_space<semaphore_mem>>)
    %dma_start3A_23 = arith.constant 0 : i32
    %dma_start3A_24 = arith.constant 0 : i32
    %dma_start3A_25 = tpu.memref_slice %arg16[%dma_start3A_23, %dma_start3A_24] : memref<512x32xf32, #tpu.memory_space<vmem>> -> memref<128x32xf32, #tpu.memory_space<vmem>>
    %dma_start3A_26 = arith.constant 0 : i32
    %dma_start3A_27 = tpu.memref_slice %arg13[%dma_start3A_26] : memref<512xi32, #tpu.memory_space<vmem>> -> memref<128xi32, #tpu.memory_space<vmem>>
    %dma_start3A_28 = arith.constant 0 : i32
    %dma_start3A_29 = arith.constant 0 : i32
    %dma_start3A_30 = tpu.memref_slice %arg4[%dma_start3A_28, %dma_start3A_29] : memref<200000x32xf32, #tpu.memory_space<hbm>> -> memref<200000x32xf32, #tpu.memory_space<hbm>>
    tpu.enqueue_indirect_dma source(%dma_start3A_30 : memref<200000x32xf32, #tpu.memory_space<hbm>>) target(%dma_start3A_25 : memref<128x32xf32, #tpu.memory_space<vmem>>) offsets(%dma_start3A_27 : memref<128xi32, #tpu.memory_space<vmem>>) semaphore(%arg21 : memref<!tpu.dma_semaphore, #tpu.memory_space<semaphore_mem>>)
    %dma_start3A_31 = arith.constant 0 : i32
    %dma_start3A_32 = arith.constant 0 : i32
    %dma_start3A_33 = tpu.memref_slice %arg17[%dma_start3A_31, %dma_start3A_32] : memref<512x32xf32, #tpu.memory_space<vmem>> -> memref<128x32xf32, #tpu.memory_space<vmem>>
    %dma_start3A_34 = arith.constant 0 : i32
    %dma_start3A_35 = tpu.memref_slice %arg10[%dma_start3A_34] : memref<512xi32, #tpu.memory_space<vmem>> -> memref<128xi32, #tpu.memory_space<vmem>>
    %dma_start3A_36 = arith.constant 0 : i32
    %dma_start3A_37 = arith.constant 0 : i32
    %dma_start3A_38 = tpu.memref_slice %arg5[%dma_start3A_36, %dma_start3A_37] : memref<100000x32xf32, #tpu.memory_space<hbm>> -> memref<100000x32xf32, #tpu.memory_space<hbm>>
    tpu.enqueue_indirect_dma source(%dma_start3A_38 : memref<100000x32xf32, #tpu.memory_space<hbm>>) target(%dma_start3A_33 : memref<128x32xf32, #tpu.memory_space<vmem>>) offsets(%dma_start3A_35 : memref<128xi32, #tpu.memory_space<vmem>>) semaphore(%arg22 : memref<!tpu.dma_semaphore, #tpu.memory_space<semaphore_mem>>)
    %dma_start3A_39 = arith.constant 128 : i32
    %dma_start3A_40 = arith.constant 0 : i32
    %dma_start3A_41 = tpu.memref_slice %arg14[%dma_start3A_39, %dma_start3A_40] : memref<512x32xf32, #tpu.memory_space<vmem>> -> memref<128x32xf32, #tpu.memory_space<vmem>>
    %dma_start3A_42 = arith.constant 128 : i32
    %dma_start3A_43 = tpu.memref_slice %arg10[%dma_start3A_42] : memref<512xi32, #tpu.memory_space<vmem>> -> memref<128xi32, #tpu.memory_space<vmem>>
    %dma_start3A_44 = arith.constant 0 : i32
    %dma_start3A_45 = arith.constant 0 : i32
    %dma_start3A_46 = tpu.memref_slice %arg2[%dma_start3A_44, %dma_start3A_45] : memref<100000x32xf32, #tpu.memory_space<hbm>> -> memref<100000x32xf32, #tpu.memory_space<hbm>>
    tpu.enqueue_indirect_dma source(%dma_start3A_46 : memref<100000x32xf32, #tpu.memory_space<hbm>>) target(%dma_start3A_41 : memref<128x32xf32, #tpu.memory_space<vmem>>) offsets(%dma_start3A_43 : memref<128xi32, #tpu.memory_space<vmem>>) semaphore(%arg19 : memref<!tpu.dma_semaphore, #tpu.memory_space<semaphore_mem>>)
    %dma_start3A_47 = arith.constant 128 : i32
    %dma_start3A_48 = arith.constant 0 : i32
    %dma_start3A_49 = tpu.memref_slice %arg15[%dma_start3A_47, %dma_start3A_48] : memref<512x32xf32, #tpu.memory_space<vmem>> -> memref<128x32xf32, #tpu.memory_space<vmem>>
    %dma_start3A_50 = arith.constant 128 : i32
    %dma_start3A_51 = tpu.memref_slice %arg10[%dma_start3A_50] : memref<512xi32, #tpu.memory_space<vmem>> -> memref<128xi32, #tpu.memory_space<vmem>>
    %dma_start3A_52 = arith.constant 0 : i32
    %dma_start3A_53 = arith.constant 0 : i32
    %dma_start3A_54 = tpu.memref_slice %arg3[%dma_start3A_52, %dma_start3A_53] : memref<100000x32xf32, #tpu.memory_space<hbm>> -> memref<100000x32xf32, #tpu.memory_space<hbm>>
    tpu.enqueue_indirect_dma source(%dma_start3A_54 : memref<100000x32xf32, #tpu.memory_space<hbm>>) target(%dma_start3A_49 : memref<128x32xf32, #tpu.memory_space<vmem>>) offsets(%dma_start3A_51 : memref<128xi32, #tpu.memory_space<vmem>>) semaphore(%arg20 : memref<!tpu.dma_semaphore, #tpu.memory_space<semaphore_mem>>)
    %dma_start3A_55 = arith.constant 128 : i32
    %dma_start3A_56 = arith.constant 0 : i32
    %dma_start3A_57 = tpu.memref_slice %arg16[%dma_start3A_55, %dma_start3A_56] : memref<512x32xf32, #tpu.memory_space<vmem>> -> memref<128x32xf32, #tpu.memory_space<vmem>>
    %dma_start3A_58 = arith.constant 128 : i32
    %dma_start3A_59 = tpu.memref_slice %arg13[%dma_start3A_58] : memref<512xi32, #tpu.memory_space<vmem>> -> memref<128xi32, #tpu.memory_space<vmem>>
    %dma_start3A_60 = arith.constant 0 : i32
    %dma_start3A_61 = arith.constant 0 : i32
    %dma_start3A_62 = tpu.memref_slice %arg4[%dma_start3A_60, %dma_start3A_61] : memref<200000x32xf32, #tpu.memory_space<hbm>> -> memref<200000x32xf32, #tpu.memory_space<hbm>>
    tpu.enqueue_indirect_dma source(%dma_start3A_62 : memref<200000x32xf32, #tpu.memory_space<hbm>>) target(%dma_start3A_57 : memref<128x32xf32, #tpu.memory_space<vmem>>) offsets(%dma_start3A_59 : memref<128xi32, #tpu.memory_space<vmem>>) semaphore(%arg21 : memref<!tpu.dma_semaphore, #tpu.memory_space<semaphore_mem>>)
    %dma_start3A_63 = arith.constant 128 : i32
    %dma_start3A_64 = arith.constant 0 : i32
    %dma_start3A_65 = tpu.memref_slice %arg17[%dma_start3A_63, %dma_start3A_64] : memref<512x32xf32, #tpu.memory_space<vmem>> -> memref<128x32xf32, #tpu.memory_space<vmem>>
    %dma_start3A_66 = arith.constant 128 : i32
    %dma_start3A_67 = tpu.memref_slice %arg10[%dma_start3A_66] : memref<512xi32, #tpu.memory_space<vmem>> -> memref<128xi32, #tpu.memory_space<vmem>>
    %dma_start3A_68 = arith.constant 0 : i32
    %dma_start3A_69 = arith.constant 0 : i32
    %dma_start3A_70 = tpu.memref_slice %arg5[%dma_start3A_68, %dma_start3A_69] : memref<100000x32xf32, #tpu.memory_space<hbm>> -> memref<100000x32xf32, #tpu.memory_space<hbm>>
    tpu.enqueue_indirect_dma source(%dma_start3A_70 : memref<100000x32xf32, #tpu.memory_space<hbm>>) target(%dma_start3A_65 : memref<128x32xf32, #tpu.memory_space<vmem>>) offsets(%dma_start3A_67 : memref<128xi32, #tpu.memory_space<vmem>>) semaphore(%arg22 : memref<!tpu.dma_semaphore, #tpu.memory_space<semaphore_mem>>)
    %dma_start3A_71 = arith.constant 256 : i32
    %dma_start3A_72 = arith.constant 0 : i32
    %dma_start3A_73 = tpu.memref_slice %arg14[%dma_start3A_71, %dma_start3A_72] : memref<512x32xf32, #tpu.memory_space<vmem>> -> memref<128x32xf32, #tpu.memory_space<vmem>>
    %dma_start3A_74 = arith.constant 256 : i32
    %dma_start3A_75 = tpu.memref_slice %arg10[%dma_start3A_74] : memref<512xi32, #tpu.memory_space<vmem>> -> memref<128xi32, #tpu.memory_space<vmem>>
    %dma_start3A_76 = arith.constant 0 : i32
    %dma_start3A_77 = arith.constant 0 : i32
    %dma_start3A_78 = tpu.memref_slice %arg2[%dma_start3A_76, %dma_start3A_77] : memref<100000x32xf32, #tpu.memory_space<hbm>> -> memref<100000x32xf32, #tpu.memory_space<hbm>>
    tpu.enqueue_indirect_dma source(%dma_start3A_78 : memref<100000x32xf32, #tpu.memory_space<hbm>>) target(%dma_start3A_73 : memref<128x32xf32, #tpu.memory_space<vmem>>) offsets(%dma_start3A_75 : memref<128xi32, #tpu.memory_space<vmem>>) semaphore(%arg19 : memref<!tpu.dma_semaphore, #tpu.memory_space<semaphore_mem>>)
    %dma_start3A_79 = arith.constant 256 : i32
    %dma_start3A_80 = arith.constant 0 : i32
    %dma_start3A_81 = tpu.memref_slice %arg15[%dma_start3A_79, %dma_start3A_80] : memref<512x32xf32, #tpu.memory_space<vmem>> -> memref<128x32xf32, #tpu.memory_space<vmem>>
    %dma_start3A_82 = arith.constant 256 : i32
    %dma_start3A_83 = tpu.memref_slice %arg10[%dma_start3A_82] : memref<512xi32, #tpu.memory_space<vmem>> -> memref<128xi32, #tpu.memory_space<vmem>>
    %dma_start3A_84 = arith.constant 0 : i32
    %dma_start3A_85 = arith.constant 0 : i32
    %dma_start3A_86 = tpu.memref_slice %arg3[%dma_start3A_84, %dma_start3A_85] : memref<100000x32xf32, #tpu.memory_space<hbm>> -> memref<100000x32xf32, #tpu.memory_space<hbm>>
    tpu.enqueue_indirect_dma source(%dma_start3A_86 : memref<100000x32xf32, #tpu.memory_space<hbm>>) target(%dma_start3A_81 : memref<128x32xf32, #tpu.memory_space<vmem>>) offsets(%dma_start3A_83 : memref<128xi32, #tpu.memory_space<vmem>>) semaphore(%arg20 : memref<!tpu.dma_semaphore, #tpu.memory_space<semaphore_mem>>)
    %dma_start3A_87 = arith.constant 256 : i32
    %dma_start3A_88 = arith.constant 0 : i32
    %dma_start3A_89 = tpu.memref_slice %arg16[%dma_start3A_87, %dma_start3A_88] : memref<512x32xf32, #tpu.memory_space<vmem>> -> memref<128x32xf32, #tpu.memory_space<vmem>>
    %dma_start3A_90 = arith.constant 256 : i32
    %dma_start3A_91 = tpu.memref_slice %arg13[%dma_start3A_90] : memref<512xi32, #tpu.memory_space<vmem>> -> memref<128xi32, #tpu.memory_space<vmem>>
    %dma_start3A_92 = arith.constant 0 : i32
    %dma_start3A_93 = arith.constant 0 : i32
    %dma_start3A_94 = tpu.memref_slice %arg4[%dma_start3A_92, %dma_start3A_93] : memref<200000x32xf32, #tpu.memory_space<hbm>> -> memref<200000x32xf32, #tpu.memory_space<hbm>>
    tpu.enqueue_indirect_dma source(%dma_start3A_94 : memref<200000x32xf32, #tpu.memory_space<hbm>>) target(%dma_start3A_89 : memref<128x32xf32, #tpu.memory_space<vmem>>) offsets(%dma_start3A_91 : memref<128xi32, #tpu.memory_space<vmem>>) semaphore(%arg21 : memref<!tpu.dma_semaphore, #tpu.memory_space<semaphore_mem>>)
    %dma_start3A_95 = arith.constant 256 : i32
    %dma_start3A_96 = arith.constant 0 : i32
    %dma_start3A_97 = tpu.memref_slice %arg17[%dma_start3A_95, %dma_start3A_96] : memref<512x32xf32, #tpu.memory_space<vmem>> -> memref<128x32xf32, #tpu.memory_space<vmem>>
    %dma_start3A_98 = arith.constant 256 : i32
    %dma_start3A_99 = tpu.memref_slice %arg10[%dma_start3A_98] : memref<512xi32, #tpu.memory_space<vmem>> -> memref<128xi32, #tpu.memory_space<vmem>>
    %dma_start3A_100 = arith.constant 0 : i32
    %dma_start3A_101 = arith.constant 0 : i32
    %dma_start3A_102 = tpu.memref_slice %arg5[%dma_start3A_100, %dma_start3A_101] : memref<100000x32xf32, #tpu.memory_space<hbm>> -> memref<100000x32xf32, #tpu.memory_space<hbm>>
    tpu.enqueue_indirect_dma source(%dma_start3A_102 : memref<100000x32xf32, #tpu.memory_space<hbm>>) target(%dma_start3A_97 : memref<128x32xf32, #tpu.memory_space<vmem>>) offsets(%dma_start3A_99 : memref<128xi32, #tpu.memory_space<vmem>>) semaphore(%arg22 : memref<!tpu.dma_semaphore, #tpu.memory_space<semaphore_mem>>)
    %dma_start3A_103 = arith.constant 384 : i32
    %dma_start3A_104 = arith.constant 0 : i32
    %dma_start3A_105 = tpu.memref_slice %arg14[%dma_start3A_103, %dma_start3A_104] : memref<512x32xf32, #tpu.memory_space<vmem>> -> memref<128x32xf32, #tpu.memory_space<vmem>>
    %dma_start3A_106 = arith.constant 384 : i32
    %dma_start3A_107 = tpu.memref_slice %arg10[%dma_start3A_106] : memref<512xi32, #tpu.memory_space<vmem>> -> memref<128xi32, #tpu.memory_space<vmem>>
    %dma_start3A_108 = arith.constant 0 : i32
    %dma_start3A_109 = arith.constant 0 : i32
    %dma_start3A_110 = tpu.memref_slice %arg2[%dma_start3A_108, %dma_start3A_109] : memref<100000x32xf32, #tpu.memory_space<hbm>> -> memref<100000x32xf32, #tpu.memory_space<hbm>>
    tpu.enqueue_indirect_dma source(%dma_start3A_110 : memref<100000x32xf32, #tpu.memory_space<hbm>>) target(%dma_start3A_105 : memref<128x32xf32, #tpu.memory_space<vmem>>) offsets(%dma_start3A_107 : memref<128xi32, #tpu.memory_space<vmem>>) semaphore(%arg19 : memref<!tpu.dma_semaphore, #tpu.memory_space<semaphore_mem>>)
    %dma_start3A_111 = arith.constant 384 : i32
    %dma_start3A_112 = arith.constant 0 : i32
    %dma_start3A_113 = tpu.memref_slice %arg15[%dma_start3A_111, %dma_start3A_112] : memref<512x32xf32, #tpu.memory_space<vmem>> -> memref<128x32xf32, #tpu.memory_space<vmem>>
    %dma_start3A_114 = arith.constant 384 : i32
    %dma_start3A_115 = tpu.memref_slice %arg10[%dma_start3A_114] : memref<512xi32, #tpu.memory_space<vmem>> -> memref<128xi32, #tpu.memory_space<vmem>>
    %dma_start3A_116 = arith.constant 0 : i32
    %dma_start3A_117 = arith.constant 0 : i32
    %dma_start3A_118 = tpu.memref_slice %arg3[%dma_start3A_116, %dma_start3A_117] : memref<100000x32xf32, #tpu.memory_space<hbm>> -> memref<100000x32xf32, #tpu.memory_space<hbm>>
    tpu.enqueue_indirect_dma source(%dma_start3A_118 : memref<100000x32xf32, #tpu.memory_space<hbm>>) target(%dma_start3A_113 : memref<128x32xf32, #tpu.memory_space<vmem>>) offsets(%dma_start3A_115 : memref<128xi32, #tpu.memory_space<vmem>>) semaphore(%arg20 : memref<!tpu.dma_semaphore, #tpu.memory_space<semaphore_mem>>)
    %dma_start3A_119 = arith.constant 384 : i32
    %dma_start3A_120 = arith.constant 0 : i32
    %dma_start3A_121 = tpu.memref_slice %arg16[%dma_start3A_119, %dma_start3A_120] : memref<512x32xf32, #tpu.memory_space<vmem>> -> memref<128x32xf32, #tpu.memory_space<vmem>>
    %dma_start3A_122 = arith.constant 384 : i32
    %dma_start3A_123 = tpu.memref_slice %arg13[%dma_start3A_122] : memref<512xi32, #tpu.memory_space<vmem>> -> memref<128xi32, #tpu.memory_space<vmem>>
    %dma_start3A_124 = arith.constant 0 : i32
    %dma_start3A_125 = arith.constant 0 : i32
    %dma_start3A_126 = tpu.memref_slice %arg4[%dma_start3A_124, %dma_start3A_125] : memref<200000x32xf32, #tpu.memory_space<hbm>> -> memref<200000x32xf32, #tpu.memory_space<hbm>>
    tpu.enqueue_indirect_dma source(%dma_start3A_126 : memref<200000x32xf32, #tpu.memory_space<hbm>>) target(%dma_start3A_121 : memref<128x32xf32, #tpu.memory_space<vmem>>) offsets(%dma_start3A_123 : memref<128xi32, #tpu.memory_space<vmem>>) semaphore(%arg21 : memref<!tpu.dma_semaphore, #tpu.memory_space<semaphore_mem>>)
    %dma_start3A_127 = arith.constant 384 : i32
    %dma_start3A_128 = arith.constant 0 : i32
    %dma_start3A_129 = tpu.memref_slice %arg17[%dma_start3A_127, %dma_start3A_128] : memref<512x32xf32, #tpu.memory_space<vmem>> -> memref<128x32xf32, #tpu.memory_space<vmem>>
    %dma_start3A_130 = arith.constant 384 : i32
    %dma_start3A_131 = tpu.memref_slice %arg10[%dma_start3A_130] : memref<512xi32, #tpu.memory_space<vmem>> -> memref<128xi32, #tpu.memory_space<vmem>>
    %dma_start3A_132 = arith.constant 0 : i32
    %dma_start3A_133 = arith.constant 0 : i32
    %dma_start3A_134 = tpu.memref_slice %arg5[%dma_start3A_132, %dma_start3A_133] : memref<100000x32xf32, #tpu.memory_space<hbm>> -> memref<100000x32xf32, #tpu.memory_space<hbm>>
    tpu.enqueue_indirect_dma source(%dma_start3A_134 : memref<100000x32xf32, #tpu.memory_space<hbm>>) target(%dma_start3A_129 : memref<128x32xf32, #tpu.memory_space<vmem>>) offsets(%dma_start3A_131 : memref<128xi32, #tpu.memory_space<vmem>>) semaphore(%arg22 : memref<!tpu.dma_semaphore, #tpu.memory_space<semaphore_mem>>)
    %dma_wait3A = arith.constant 0 : i32
    %dma_wait3A_135 = arith.constant 0 : i32
    %dma_wait3A_136 = tpu.memref_slice %arg14[%dma_wait3A, %dma_wait3A_135] : memref<512x32xf32, #tpu.memory_space<vmem>> -> memref<128x32xf32, #tpu.memory_space<vmem>>
    %dma_wait3A_137 = arith.constant 0 : i32
    %dma_wait3A_138 = tpu.memref_slice %arg10[%dma_wait3A_137] : memref<512xi32, #tpu.memory_space<vmem>> -> memref<128xi32, #tpu.memory_space<vmem>>
    %dma_wait3A_139 = arith.constant 0 : i32
    %dma_wait3A_140 = arith.constant 0 : i32
    %dma_wait3A_141 = tpu.memref_slice %arg2[%dma_wait3A_139, %dma_wait3A_140] : memref<100000x32xf32, #tpu.memory_space<hbm>> -> memref<100000x32xf32, #tpu.memory_space<hbm>>
    tpu.wait_indirect_dma semaphore(%arg19 : memref<!tpu.dma_semaphore, #tpu.memory_space<semaphore_mem>>) src(%dma_wait3A_141 : memref<100000x32xf32, #tpu.memory_space<hbm>>) dst(%dma_wait3A_136 : memref<128x32xf32, #tpu.memory_space<vmem>>)
    %dma_wait3A_142 = arith.constant 0 : i32
    %dma_wait3A_143 = arith.constant 0 : i32
    %dma_wait3A_144 = tpu.memref_slice %arg15[%dma_wait3A_142, %dma_wait3A_143] : memref<512x32xf32, #tpu.memory_space<vmem>> -> memref<128x32xf32, #tpu.memory_space<vmem>>
    %dma_wait3A_145 = arith.constant 0 : i32
    %dma_wait3A_146 = tpu.memref_slice %arg10[%dma_wait3A_145] : memref<512xi32, #tpu.memory_space<vmem>> -> memref<128xi32, #tpu.memory_space<vmem>>
    %dma_wait3A_147 = arith.constant 0 : i32
    %dma_wait3A_148 = arith.constant 0 : i32
    %dma_wait3A_149 = tpu.memref_slice %arg3[%dma_wait3A_147, %dma_wait3A_148] : memref<100000x32xf32, #tpu.memory_space<hbm>> -> memref<100000x32xf32, #tpu.memory_space<hbm>>
    tpu.wait_indirect_dma semaphore(%arg20 : memref<!tpu.dma_semaphore, #tpu.memory_space<semaphore_mem>>) src(%dma_wait3A_149 : memref<100000x32xf32, #tpu.memory_space<hbm>>) dst(%dma_wait3A_144 : memref<128x32xf32, #tpu.memory_space<vmem>>)
    %dma_wait3A_150 = arith.constant 0 : i32
    %dma_wait3A_151 = arith.constant 0 : i32
    %dma_wait3A_152 = tpu.memref_slice %arg16[%dma_wait3A_150, %dma_wait3A_151] : memref<512x32xf32, #tpu.memory_space<vmem>> -> memref<128x32xf32, #tpu.memory_space<vmem>>
    %dma_wait3A_153 = arith.constant 0 : i32
    %dma_wait3A_154 = tpu.memref_slice %arg13[%dma_wait3A_153] : memref<512xi32, #tpu.memory_space<vmem>> -> memref<128xi32, #tpu.memory_space<vmem>>
    %dma_wait3A_155 = arith.constant 0 : i32
    %dma_wait3A_156 = arith.constant 0 : i32
    %dma_wait3A_157 = tpu.memref_slice %arg4[%dma_wait3A_155, %dma_wait3A_156] : memref<200000x32xf32, #tpu.memory_space<hbm>> -> memref<200000x32xf32, #tpu.memory_space<hbm>>
    tpu.wait_indirect_dma semaphore(%arg21 : memref<!tpu.dma_semaphore, #tpu.memory_space<semaphore_mem>>) src(%dma_wait3A_157 : memref<200000x32xf32, #tpu.memory_space<hbm>>) dst(%dma_wait3A_152 : memref<128x32xf32, #tpu.memory_space<vmem>>)
    %dma_wait3A_158 = arith.constant 0 : i32
    %dma_wait3A_159 = arith.constant 0 : i32
    %dma_wait3A_160 = tpu.memref_slice %arg17[%dma_wait3A_158, %dma_wait3A_159] : memref<512x32xf32, #tpu.memory_space<vmem>> -> memref<128x32xf32, #tpu.memory_space<vmem>>
    %dma_wait3A_161 = arith.constant 0 : i32
    %dma_wait3A_162 = tpu.memref_slice %arg10[%dma_wait3A_161] : memref<512xi32, #tpu.memory_space<vmem>> -> memref<128xi32, #tpu.memory_space<vmem>>
    %dma_wait3A_163 = arith.constant 0 : i32
    %dma_wait3A_164 = arith.constant 0 : i32
    %dma_wait3A_165 = tpu.memref_slice %arg5[%dma_wait3A_163, %dma_wait3A_164] : memref<100000x32xf32, #tpu.memory_space<hbm>> -> memref<100000x32xf32, #tpu.memory_space<hbm>>
    tpu.wait_indirect_dma semaphore(%arg22 : memref<!tpu.dma_semaphore, #tpu.memory_space<semaphore_mem>>) src(%dma_wait3A_165 : memref<100000x32xf32, #tpu.memory_space<hbm>>) dst(%dma_wait3A_160 : memref<128x32xf32, #tpu.memory_space<vmem>>)
    %dma_wait3A_166 = arith.constant 128 : i32
    %dma_wait3A_167 = arith.constant 0 : i32
    %dma_wait3A_168 = tpu.memref_slice %arg14[%dma_wait3A_166, %dma_wait3A_167] : memref<512x32xf32, #tpu.memory_space<vmem>> -> memref<128x32xf32, #tpu.memory_space<vmem>>
    %dma_wait3A_169 = arith.constant 128 : i32
    %dma_wait3A_170 = tpu.memref_slice %arg10[%dma_wait3A_169] : memref<512xi32, #tpu.memory_space<vmem>> -> memref<128xi32, #tpu.memory_space<vmem>>
    %dma_wait3A_171 = arith.constant 0 : i32
    %dma_wait3A_172 = arith.constant 0 : i32
    %dma_wait3A_173 = tpu.memref_slice %arg2[%dma_wait3A_171, %dma_wait3A_172] : memref<100000x32xf32, #tpu.memory_space<hbm>> -> memref<100000x32xf32, #tpu.memory_space<hbm>>
    tpu.wait_indirect_dma semaphore(%arg19 : memref<!tpu.dma_semaphore, #tpu.memory_space<semaphore_mem>>) src(%dma_wait3A_173 : memref<100000x32xf32, #tpu.memory_space<hbm>>) dst(%dma_wait3A_168 : memref<128x32xf32, #tpu.memory_space<vmem>>)
    %dma_wait3A_174 = arith.constant 128 : i32
    %dma_wait3A_175 = arith.constant 0 : i32
    %dma_wait3A_176 = tpu.memref_slice %arg15[%dma_wait3A_174, %dma_wait3A_175] : memref<512x32xf32, #tpu.memory_space<vmem>> -> memref<128x32xf32, #tpu.memory_space<vmem>>
    %dma_wait3A_177 = arith.constant 128 : i32
    %dma_wait3A_178 = tpu.memref_slice %arg10[%dma_wait3A_177] : memref<512xi32, #tpu.memory_space<vmem>> -> memref<128xi32, #tpu.memory_space<vmem>>
    %dma_wait3A_179 = arith.constant 0 : i32
    %dma_wait3A_180 = arith.constant 0 : i32
    %dma_wait3A_181 = tpu.memref_slice %arg3[%dma_wait3A_179, %dma_wait3A_180] : memref<100000x32xf32, #tpu.memory_space<hbm>> -> memref<100000x32xf32, #tpu.memory_space<hbm>>
    tpu.wait_indirect_dma semaphore(%arg20 : memref<!tpu.dma_semaphore, #tpu.memory_space<semaphore_mem>>) src(%dma_wait3A_181 : memref<100000x32xf32, #tpu.memory_space<hbm>>) dst(%dma_wait3A_176 : memref<128x32xf32, #tpu.memory_space<vmem>>)
    %dma_wait3A_182 = arith.constant 128 : i32
    %dma_wait3A_183 = arith.constant 0 : i32
    %dma_wait3A_184 = tpu.memref_slice %arg16[%dma_wait3A_182, %dma_wait3A_183] : memref<512x32xf32, #tpu.memory_space<vmem>> -> memref<128x32xf32, #tpu.memory_space<vmem>>
    %dma_wait3A_185 = arith.constant 128 : i32
    %dma_wait3A_186 = tpu.memref_slice %arg13[%dma_wait3A_185] : memref<512xi32, #tpu.memory_space<vmem>> -> memref<128xi32, #tpu.memory_space<vmem>>
    %dma_wait3A_187 = arith.constant 0 : i32
    %dma_wait3A_188 = arith.constant 0 : i32
    %dma_wait3A_189 = tpu.memref_slice %arg4[%dma_wait3A_187, %dma_wait3A_188] : memref<200000x32xf32, #tpu.memory_space<hbm>> -> memref<200000x32xf32, #tpu.memory_space<hbm>>
    tpu.wait_indirect_dma semaphore(%arg21 : memref<!tpu.dma_semaphore, #tpu.memory_space<semaphore_mem>>) src(%dma_wait3A_189 : memref<200000x32xf32, #tpu.memory_space<hbm>>) dst(%dma_wait3A_184 : memref<128x32xf32, #tpu.memory_space<vmem>>)
    %dma_wait3A_190 = arith.constant 128 : i32
    %dma_wait3A_191 = arith.constant 0 : i32
    %dma_wait3A_192 = tpu.memref_slice %arg17[%dma_wait3A_190, %dma_wait3A_191] : memref<512x32xf32, #tpu.memory_space<vmem>> -> memref<128x32xf32, #tpu.memory_space<vmem>>
    %dma_wait3A_193 = arith.constant 128 : i32
    %dma_wait3A_194 = tpu.memref_slice %arg10[%dma_wait3A_193] : memref<512xi32, #tpu.memory_space<vmem>> -> memref<128xi32, #tpu.memory_space<vmem>>
    %dma_wait3A_195 = arith.constant 0 : i32
    %dma_wait3A_196 = arith.constant 0 : i32
    %dma_wait3A_197 = tpu.memref_slice %arg5[%dma_wait3A_195, %dma_wait3A_196] : memref<100000x32xf32, #tpu.memory_space<hbm>> -> memref<100000x32xf32, #tpu.memory_space<hbm>>
    tpu.wait_indirect_dma semaphore(%arg22 : memref<!tpu.dma_semaphore, #tpu.memory_space<semaphore_mem>>) src(%dma_wait3A_197 : memref<100000x32xf32, #tpu.memory_space<hbm>>) dst(%dma_wait3A_192 : memref<128x32xf32, #tpu.memory_space<vmem>>)
    %dma_wait3A_198 = arith.constant 256 : i32
    %dma_wait3A_199 = arith.constant 0 : i32
    %dma_wait3A_200 = tpu.memref_slice %arg14[%dma_wait3A_198, %dma_wait3A_199] : memref<512x32xf32, #tpu.memory_space<vmem>> -> memref<128x32xf32, #tpu.memory_space<vmem>>
    %dma_wait3A_201 = arith.constant 256 : i32
    %dma_wait3A_202 = tpu.memref_slice %arg10[%dma_wait3A_201] : memref<512xi32, #tpu.memory_space<vmem>> -> memref<128xi32, #tpu.memory_space<vmem>>
    %dma_wait3A_203 = arith.constant 0 : i32
    %dma_wait3A_204 = arith.constant 0 : i32
    %dma_wait3A_205 = tpu.memref_slice %arg2[%dma_wait3A_203, %dma_wait3A_204] : memref<100000x32xf32, #tpu.memory_space<hbm>> -> memref<100000x32xf32, #tpu.memory_space<hbm>>
    tpu.wait_indirect_dma semaphore(%arg19 : memref<!tpu.dma_semaphore, #tpu.memory_space<semaphore_mem>>) src(%dma_wait3A_205 : memref<100000x32xf32, #tpu.memory_space<hbm>>) dst(%dma_wait3A_200 : memref<128x32xf32, #tpu.memory_space<vmem>>)
    %dma_wait3A_206 = arith.constant 256 : i32
    %dma_wait3A_207 = arith.constant 0 : i32
    %dma_wait3A_208 = tpu.memref_slice %arg15[%dma_wait3A_206, %dma_wait3A_207] : memref<512x32xf32, #tpu.memory_space<vmem>> -> memref<128x32xf32, #tpu.memory_space<vmem>>
    %dma_wait3A_209 = arith.constant 256 : i32
    %dma_wait3A_210 = tpu.memref_slice %arg10[%dma_wait3A_209] : memref<512xi32, #tpu.memory_space<vmem>> -> memref<128xi32, #tpu.memory_space<vmem>>
    %dma_wait3A_211 = arith.constant 0 : i32
    %dma_wait3A_212 = arith.constant 0 : i32
    %dma_wait3A_213 = tpu.memref_slice %arg3[%dma_wait3A_211, %dma_wait3A_212] : memref<100000x32xf32, #tpu.memory_space<hbm>> -> memref<100000x32xf32, #tpu.memory_space<hbm>>
    tpu.wait_indirect_dma semaphore(%arg20 : memref<!tpu.dma_semaphore, #tpu.memory_space<semaphore_mem>>) src(%dma_wait3A_213 : memref<100000x32xf32, #tpu.memory_space<hbm>>) dst(%dma_wait3A_208 : memref<128x32xf32, #tpu.memory_space<vmem>>)
    %dma_wait3A_214 = arith.constant 256 : i32
    %dma_wait3A_215 = arith.constant 0 : i32
    %dma_wait3A_216 = tpu.memref_slice %arg16[%dma_wait3A_214, %dma_wait3A_215] : memref<512x32xf32, #tpu.memory_space<vmem>> -> memref<128x32xf32, #tpu.memory_space<vmem>>
    %dma_wait3A_217 = arith.constant 256 : i32
    %dma_wait3A_218 = tpu.memref_slice %arg13[%dma_wait3A_217] : memref<512xi32, #tpu.memory_space<vmem>> -> memref<128xi32, #tpu.memory_space<vmem>>
    %dma_wait3A_219 = arith.constant 0 : i32
    %dma_wait3A_220 = arith.constant 0 : i32
    %dma_wait3A_221 = tpu.memref_slice %arg4[%dma_wait3A_219, %dma_wait3A_220] : memref<200000x32xf32, #tpu.memory_space<hbm>> -> memref<200000x32xf32, #tpu.memory_space<hbm>>
    tpu.wait_indirect_dma semaphore(%arg21 : memref<!tpu.dma_semaphore, #tpu.memory_space<semaphore_mem>>) src(%dma_wait3A_221 : memref<200000x32xf32, #tpu.memory_space<hbm>>) dst(%dma_wait3A_216 : memref<128x32xf32, #tpu.memory_space<vmem>>)
    %dma_wait3A_222 = arith.constant 256 : i32
    %dma_wait3A_223 = arith.constant 0 : i32
    %dma_wait3A_224 = tpu.memref_slice %arg17[%dma_wait3A_222, %dma_wait3A_223] : memref<512x32xf32, #tpu.memory_space<vmem>> -> memref<128x32xf32, #tpu.memory_space<vmem>>
    %dma_wait3A_225 = arith.constant 256 : i32
    %dma_wait3A_226 = tpu.memref_slice %arg10[%dma_wait3A_225] : memref<512xi32, #tpu.memory_space<vmem>> -> memref<128xi32, #tpu.memory_space<vmem>>
    %dma_wait3A_227 = arith.constant 0 : i32
    %dma_wait3A_228 = arith.constant 0 : i32
    %dma_wait3A_229 = tpu.memref_slice %arg5[%dma_wait3A_227, %dma_wait3A_228] : memref<100000x32xf32, #tpu.memory_space<hbm>> -> memref<100000x32xf32, #tpu.memory_space<hbm>>
    tpu.wait_indirect_dma semaphore(%arg22 : memref<!tpu.dma_semaphore, #tpu.memory_space<semaphore_mem>>) src(%dma_wait3A_229 : memref<100000x32xf32, #tpu.memory_space<hbm>>) dst(%dma_wait3A_224 : memref<128x32xf32, #tpu.memory_space<vmem>>)
    %dma_wait3A_230 = arith.constant 384 : i32
    %dma_wait3A_231 = arith.constant 0 : i32
    %dma_wait3A_232 = tpu.memref_slice %arg14[%dma_wait3A_230, %dma_wait3A_231] : memref<512x32xf32, #tpu.memory_space<vmem>> -> memref<128x32xf32, #tpu.memory_space<vmem>>
    %dma_wait3A_233 = arith.constant 384 : i32
    %dma_wait3A_234 = tpu.memref_slice %arg10[%dma_wait3A_233] : memref<512xi32, #tpu.memory_space<vmem>> -> memref<128xi32, #tpu.memory_space<vmem>>
    %dma_wait3A_235 = arith.constant 0 : i32
    %dma_wait3A_236 = arith.constant 0 : i32
    %dma_wait3A_237 = tpu.memref_slice %arg2[%dma_wait3A_235, %dma_wait3A_236] : memref<100000x32xf32, #tpu.memory_space<hbm>> -> memref<100000x32xf32, #tpu.memory_space<hbm>>
    tpu.wait_indirect_dma semaphore(%arg19 : memref<!tpu.dma_semaphore, #tpu.memory_space<semaphore_mem>>) src(%dma_wait3A_237 : memref<100000x32xf32, #tpu.memory_space<hbm>>) dst(%dma_wait3A_232 : memref<128x32xf32, #tpu.memory_space<vmem>>)
    %dma_wait3A_238 = arith.constant 384 : i32
    %dma_wait3A_239 = arith.constant 0 : i32
    %dma_wait3A_240 = tpu.memref_slice %arg15[%dma_wait3A_238, %dma_wait3A_239] : memref<512x32xf32, #tpu.memory_space<vmem>> -> memref<128x32xf32, #tpu.memory_space<vmem>>
    %dma_wait3A_241 = arith.constant 384 : i32
    %dma_wait3A_242 = tpu.memref_slice %arg10[%dma_wait3A_241] : memref<512xi32, #tpu.memory_space<vmem>> -> memref<128xi32, #tpu.memory_space<vmem>>
    %dma_wait3A_243 = arith.constant 0 : i32
    %dma_wait3A_244 = arith.constant 0 : i32
    %dma_wait3A_245 = tpu.memref_slice %arg3[%dma_wait3A_243, %dma_wait3A_244] : memref<100000x32xf32, #tpu.memory_space<hbm>> -> memref<100000x32xf32, #tpu.memory_space<hbm>>
    tpu.wait_indirect_dma semaphore(%arg20 : memref<!tpu.dma_semaphore, #tpu.memory_space<semaphore_mem>>) src(%dma_wait3A_245 : memref<100000x32xf32, #tpu.memory_space<hbm>>) dst(%dma_wait3A_240 : memref<128x32xf32, #tpu.memory_space<vmem>>)
    %dma_wait3A_246 = arith.constant 384 : i32
    %dma_wait3A_247 = arith.constant 0 : i32
    %dma_wait3A_248 = tpu.memref_slice %arg16[%dma_wait3A_246, %dma_wait3A_247] : memref<512x32xf32, #tpu.memory_space<vmem>> -> memref<128x32xf32, #tpu.memory_space<vmem>>
    %dma_wait3A_249 = arith.constant 384 : i32
    %dma_wait3A_250 = tpu.memref_slice %arg13[%dma_wait3A_249] : memref<512xi32, #tpu.memory_space<vmem>> -> memref<128xi32, #tpu.memory_space<vmem>>
    %dma_wait3A_251 = arith.constant 0 : i32
    %dma_wait3A_252 = arith.constant 0 : i32
    %dma_wait3A_253 = tpu.memref_slice %arg4[%dma_wait3A_251, %dma_wait3A_252] : memref<200000x32xf32, #tpu.memory_space<hbm>> -> memref<200000x32xf32, #tpu.memory_space<hbm>>
    tpu.wait_indirect_dma semaphore(%arg21 : memref<!tpu.dma_semaphore, #tpu.memory_space<semaphore_mem>>) src(%dma_wait3A_253 : memref<200000x32xf32, #tpu.memory_space<hbm>>) dst(%dma_wait3A_248 : memref<128x32xf32, #tpu.memory_space<vmem>>)
    %dma_wait3A_254 = arith.constant 384 : i32
    %dma_wait3A_255 = arith.constant 0 : i32
    %dma_wait3A_256 = tpu.memref_slice %arg17[%dma_wait3A_254, %dma_wait3A_255] : memref<512x32xf32, #tpu.memory_space<vmem>> -> memref<128x32xf32, #tpu.memory_space<vmem>>
    %dma_wait3A_257 = arith.constant 384 : i32
    %dma_wait3A_258 = tpu.memref_slice %arg10[%dma_wait3A_257] : memref<512xi32, #tpu.memory_space<vmem>> -> memref<128xi32, #tpu.memory_space<vmem>>
    %dma_wait3A_259 = arith.constant 0 : i32
    %dma_wait3A_260 = arith.constant 0 : i32
    %dma_wait3A_261 = tpu.memref_slice %arg5[%dma_wait3A_259, %dma_wait3A_260] : memref<100000x32xf32, #tpu.memory_space<hbm>> -> memref<100000x32xf32, #tpu.memory_space<hbm>>
    tpu.wait_indirect_dma semaphore(%arg22 : memref<!tpu.dma_semaphore, #tpu.memory_space<semaphore_mem>>) src(%dma_wait3A_261 : memref<100000x32xf32, #tpu.memory_space<hbm>>) dst(%dma_wait3A_256 : memref<128x32xf32, #tpu.memory_space<vmem>>)
    %scan3A_262 = arith.constant 0 : i32
    %scan3A_263 = arith.constant 0 : i32
    %scan3A_264 = arith.constant 32 : i32
    %scan3A_265 = arith.addi %scan3A_263, %scan3A_264 : i32
    %scan3A_266 = arith.constant 1 : i32
    scf.for %scan3A_268 = %scan3A_263 to %scan3A_265 step %scan3A_266  : i32 {
      %mul3A_269 = arith.constant 16 : i32
      %mul3A_270 = arith.muli %scan3A_268, %mul3A_269 : i32
      %get3A = arith.index_cast %mul3A_270 : i32 to index
      %get3A_271 = tpu.vector_load %arg11[%get3A] {strides = array<i32>} : memref<512xf32, #tpu.memory_space<vmem>>, vector<16xf32>,
      %get3A_272 = vector.shape_cast %get3A_271 : vector<16xf32> to vector<16xf32>
      %mul3A_273 = arith.constant 16 : i32
      %mul3A_274 = arith.muli %scan3A_268, %mul3A_273 : i32
      %add3A_275 = arith.constant 0 : i32
      %add3A_276 = arith.addi %mul3A_274, %add3A_275 : i32
      %slice3A = vector.extract_strided_slice %get3A_272 {offsets = [0], sizes = [1], strides = [1]} : vector<16xf32> to vector<1xf32>
      %squeeze3A = vector.extract %slice3A[0] : f32 from vector<1xf32>
      %get3A_277 = arith.index_cast %add3A_276 : i32 to index
      %get3A_278 = arith.constant 0 : index
      %get3A_279 = tpu.vector_load %arg14[%get3A_277, %get3A_278] {strides = array<i32>} : memref<512x32xf32, #tpu.memory_space<vmem>>, vector<1x16xf32>,
      %get3A_280 = vector.shape_cast %get3A_279 : vector<1x16xf32> to vector<16xf32>
      %mul3A_281 = vector.broadcast %squeeze3A : f32 to vector<16xf32>
      %mul3A_282 = arith.mulf %get3A_280, %mul3A_281 : vector<16xf32>
      %get3A_283 = arith.index_cast %add3A_276 : i32 to index
      %get3A_284 = arith.constant 0 : index
      %get3A_285 = tpu.vector_load %arg15[%get3A_283, %get3A_284] {strides = array<i32>} : memref<512x32xf32, #tpu.memory_space<vmem>>, vector<1x16xf32>,
      %get3A_286 = vector.shape_cast %get3A_285 : vector<1x16xf32> to vector<16xf32>
      %add3A_287 = arith.addf %mul3A_282, %get3A_286 : vector<16xf32>
      %swap3A = arith.index_cast %add3A_276 : i32 to index
      %swap3A_288 = arith.constant 0 : index
      %swap3A_289 = tpu.vector_load %arg18[%swap3A, %swap3A_288] {strides = array<i32>} : memref<512x64xf32, #tpu.memory_space<vmem>>, vector<1x16xf32>,
      %swap3A_290 = vector.shape_cast %swap3A_289 : vector<1x16xf32> to vector<16xf32>
      %swap3A_291 = vector.shape_cast %add3A_287 : vector<16xf32> to vector<1x16xf32>
      tpu.vector_store %arg18[%swap3A, %swap3A_288], %swap3A_291 {strides = array<i32>} : memref<512x64xf32, #tpu.memory_space<vmem>>, vector<1x16xf32>,
      %get3A_292 = arith.index_cast %add3A_276 : i32 to index
      %get3A_293 = arith.constant 16 : index
      %get3A_294 = tpu.vector_load %arg14[%get3A_292, %get3A_293] {strides = array<i32>} : memref<512x32xf32, #tpu.memory_space<vmem>>, vector<1x16xf32>,
      %get3A_295 = vector.shape_cast %get3A_294 : vector<1x16xf32> to vector<16xf32>
      %mul3A_296 = vector.broadcast %squeeze3A : f32 to vector<16xf32>
      %mul3A_297 = arith.mulf %get3A_295, %mul3A_296 : vector<16xf32>
      %get3A_298 = arith.index_cast %add3A_276 : i32 to index
      %get3A_299 = arith.constant 16 : index
      %get3A_300 = tpu.vector_load %arg15[%get3A_298, %get3A_299] {strides = array<i32>} : memref<512x32xf32, #tpu.memory_space<vmem>>, vector<1x16xf32>,
      %get3A_301 = vector.shape_cast %get3A_300 : vector<1x16xf32> to vector<16xf32>
      %add3A_302 = arith.addf %mul3A_297, %get3A_301 : vector<16xf32>
      %swap3A_303 = arith.index_cast %add3A_276 : i32 to index
      %swap3A_304 = arith.constant 16 : index
      %swap3A_305 = tpu.vector_load %arg18[%swap3A_303, %swap3A_304] {strides = array<i32>} : memref<512x64xf32, #tpu.memory_space<vmem>>, vector<1x16xf32>,
      %swap3A_306 = vector.shape_cast %swap3A_305 : vector<1x16xf32> to vector<16xf32>
      %swap3A_307 = vector.shape_cast %add3A_302 : vector<16xf32> to vector<1x16xf32>
      tpu.vector_store %arg18[%swap3A_303, %swap3A_304], %swap3A_307 {strides = array<i32>} : memref<512x64xf32, #tpu.memory_space<vmem>>, vector<1x16xf32>,
      %get3A_308 = arith.index_cast %add3A_276 : i32 to index
      %get3A_309 = arith.constant 0 : index
      %get3A_310 = tpu.vector_load %arg16[%get3A_308, %get3A_309] {strides = array<i32>} : memref<512x32xf32, #tpu.memory_space<vmem>>, vector<1x16xf32>,
      %get3A_311 = vector.shape_cast %get3A_310 : vector<1x16xf32> to vector<16xf32>
      %get3A_312 = arith.index_cast %add3A_276 : i32 to index
      %get3A_313 = arith.constant 0 : index
      %get3A_314 = tpu.vector_load %arg17[%get3A_312, %get3A_313] {strides = array<i32>} : memref<512x32xf32, #tpu.memory_space<vmem>>, vector<1x16xf32>,
      %get3A_315 = vector.shape_cast %get3A_314 : vector<1x16xf32> to vector<16xf32>
      %add3A_316 = arith.addf %get3A_311, %get3A_315 : vector<16xf32>
      %swap3A_317 = arith.index_cast %add3A_276 : i32 to index
      %swap3A_318 = arith.constant 32 : index
      %swap3A_319 = tpu.vector_load %arg18[%swap3A_317, %swap3A_318] {strides = array<i32>} : memref<512x64xf32, #tpu.memory_space<vmem>>, vector<1x16xf32>,
      %swap3A_320 = vector.shape_cast %swap3A_319 : vector<1x16xf32> to vector<16xf32>
      %swap3A_321 = vector.shape_cast %add3A_316 : vector<16xf32> to vector<1x16xf32>
      tpu.vector_store %arg18[%swap3A_317, %swap3A_318], %swap3A_321 {strides = array<i32>} : memref<512x64xf32, #tpu.memory_space<vmem>>, vector<1x16xf32>,
      %get3A_322 = arith.index_cast %add3A_276 : i32 to index
      %get3A_323 = arith.constant 16 : index
      %get3A_324 = tpu.vector_load %arg16[%get3A_322, %get3A_323] {strides = array<i32>} : memref<512x32xf32, #tpu.memory_space<vmem>>, vector<1x16xf32>,
      %get3A_325 = vector.shape_cast %get3A_324 : vector<1x16xf32> to vector<16xf32>
      %get3A_326 = arith.index_cast %add3A_276 : i32 to index
      %get3A_327 = arith.constant 16 : index
      %get3A_328 = tpu.vector_load %arg17[%get3A_326, %get3A_327] {strides = array<i32>} : memref<512x32xf32, #tpu.memory_space<vmem>>, vector<1x16xf32>,
      %get3A_329 = vector.shape_cast %get3A_328 : vector<1x16xf32> to vector<16xf32>
      %add3A_330 = arith.addf %get3A_325, %get3A_329 : vector<16xf32>
      %swap3A_331 = arith.index_cast %add3A_276 : i32 to index
      %swap3A_332 = arith.constant 48 : index
      %swap3A_333 = tpu.vector_load %arg18[%swap3A_331, %swap3A_332] {strides = array<i32>} : memref<512x64xf32, #tpu.memory_space<vmem>>, vector<1x16xf32>,
      %swap3A_334 = vector.shape_cast %swap3A_333 : vector<1x16xf32> to vector<16xf32>
      %swap3A_335 = vector.shape_cast %add3A_330 : vector<16xf32> to vector<1x16xf32>
      tpu.vector_store %arg18[%swap3A_331, %swap3A_332], %swap3A_335 {strides = array<i32>} : memref<512x64xf32, #tpu.memory_space<vmem>>, vector<1x16xf32>,
      %mul3A_336 = arith.constant 16 : i32
      %mul3A_337 = arith.muli %scan3A_268, %mul3A_336 : i32
      %add3A_338 = arith.constant 1 : i32
      %add3A_339 = arith.addi %mul3A_337, %add3A_338 : i32
      %slice3A_340 = vector.extract_strided_slice %get3A_272 {offsets = [1], sizes = [1], strides = [1]} : vector<16xf32> to vector<1xf32>
      %squeeze3A_341 = vector.extract %slice3A_340[0] : f32 from vector<1xf32>
      %get3A_342 = arith.index_cast %add3A_339 : i32 to index
      %get3A_343 = arith.constant 0 : index
      %get3A_344 = tpu.vector_load %arg14[%get3A_342, %get3A_343] {strides = array<i32>} : memref<512x32xf32, #tpu.memory_space<vmem>>, vector<1x16xf32>,
      %get3A_345 = vector.shape_cast %get3A_344 : vector<1x16xf32> to vector<16xf32>
      %mul3A_346 = vector.broadcast %squeeze3A_341 : f32 to vector<16xf32>
      %mul3A_347 = arith.mulf %get3A_345, %mul3A_346 : vector<16xf32>
      %get3A_348 = arith.index_cast %add3A_339 : i32 to index
      %get3A_349 = arith.constant 0 : index
      %get3A_350 = tpu.vector_load %arg15[%get3A_348, %get3A_349] {strides = array<i32>} : memref<512x32xf32, #tpu.memory_space<vmem>>, vector<1x16xf32>,
      %get3A_351 = vector.shape_cast %get3A_350 : vector<1x16xf32> to vector<16xf32>
      %add3A_352 = arith.addf %mul3A_347, %get3A_351 : vector<16xf32>
      %swap3A_353 = arith.index_cast %add3A_339 : i32 to index
      %swap3A_354 = arith.constant 0 : index
      %swap3A_355 = tpu.vector_load %arg18[%swap3A_353, %swap3A_354] {strides = array<i32>} : memref<512x64xf32, #tpu.memory_space<vmem>>, vector<1x16xf32>,
      %swap3A_356 = vector.shape_cast %swap3A_355 : vector<1x16xf32> to vector<16xf32>
      %swap3A_357 = vector.shape_cast %add3A_352 : vector<16xf32> to vector<1x16xf32>
      tpu.vector_store %arg18[%swap3A_353, %swap3A_354], %swap3A_357 {strides = array<i32>} : memref<512x64xf32, #tpu.memory_space<vmem>>, vector<1x16xf32>,
      %get3A_358 = arith.index_cast %add3A_339 : i32 to index
      %get3A_359 = arith.constant 16 : index
      %get3A_360 = tpu.vector_load %arg14[%get3A_358, %get3A_359] {strides = array<i32>} : memref<512x32xf32, #tpu.memory_space<vmem>>, vector<1x16xf32>,
      %get3A_361 = vector.shape_cast %get3A_360 : vector<1x16xf32> to vector<16xf32>
      %mul3A_362 = vector.broadcast %squeeze3A_341 : f32 to vector<16xf32>
      %mul3A_363 = arith.mulf %get3A_361, %mul3A_362 : vector<16xf32>
      %get3A_364 = arith.index_cast %add3A_339 : i32 to index
      %get3A_365 = arith.constant 16 : index
      %get3A_366 = tpu.vector_load %arg15[%get3A_364, %get3A_365] {strides = array<i32>} : memref<512x32xf32, #tpu.memory_space<vmem>>, vector<1x16xf32>,
      %get3A_367 = vector.shape_cast %get3A_366 : vector<1x16xf32> to vector<16xf32>
      %add3A_368 = arith.addf %mul3A_363, %get3A_367 : vector<16xf32>
      %swap3A_369 = arith.index_cast %add3A_339 : i32 to index
      %swap3A_370 = arith.constant 16 : index
      %swap3A_371 = tpu.vector_load %arg18[%swap3A_369, %swap3A_370] {strides = array<i32>} : memref<512x64xf32, #tpu.memory_space<vmem>>, vector<1x16xf32>,
      %swap3A_372 = vector.shape_cast %swap3A_371 : vector<1x16xf32> to vector<16xf32>
      %swap3A_373 = vector.shape_cast %add3A_368 : vector<16xf32> to vector<1x16xf32>
      tpu.vector_store %arg18[%swap3A_369, %swap3A_370], %swap3A_373 {strides = array<i32>} : memref<512x64xf32, #tpu.memory_space<vmem>>, vector<1x16xf32>,
      %get3A_374 = arith.index_cast %add3A_339 : i32 to index
      %get3A_375 = arith.constant 0 : index
      %get3A_376 = tpu.vector_load %arg16[%get3A_374, %get3A_375] {strides = array<i32>} : memref<512x32xf32, #tpu.memory_space<vmem>>, vector<1x16xf32>,
      %get3A_377 = vector.shape_cast %get3A_376 : vector<1x16xf32> to vector<16xf32>
      %get3A_378 = arith.index_cast %add3A_339 : i32 to index
      %get3A_379 = arith.constant 0 : index
      %get3A_380 = tpu.vector_load %arg17[%get3A_378, %get3A_379] {strides = array<i32>} : memref<512x32xf32, #tpu.memory_space<vmem>>, vector<1x16xf32>,
      %get3A_381 = vector.shape_cast %get3A_380 : vector<1x16xf32> to vector<16xf32>
      %add3A_382 = arith.addf %get3A_377, %get3A_381 : vector<16xf32>
      %swap3A_383 = arith.index_cast %add3A_339 : i32 to index
      %swap3A_384 = arith.constant 32 : index
      %swap3A_385 = tpu.vector_load %arg18[%swap3A_383, %swap3A_384] {strides = array<i32>} : memref<512x64xf32, #tpu.memory_space<vmem>>, vector<1x16xf32>,
      %swap3A_386 = vector.shape_cast %swap3A_385 : vector<1x16xf32> to vector<16xf32>
      %swap3A_387 = vector.shape_cast %add3A_382 : vector<16xf32> to vector<1x16xf32>
      tpu.vector_store %arg18[%swap3A_383, %swap3A_384], %swap3A_387 {strides = array<i32>} : memref<512x64xf32, #tpu.memory_space<vmem>>, vector<1x16xf32>,
      %get3A_388 = arith.index_cast %add3A_339 : i32 to index
      %get3A_389 = arith.constant 16 : index
      %get3A_390 = tpu.vector_load %arg16[%get3A_388, %get3A_389] {strides = array<i32>} : memref<512x32xf32, #tpu.memory_space<vmem>>, vector<1x16xf32>,
      %get3A_391 = vector.shape_cast %get3A_390 : vector<1x16xf32> to vector<16xf32>
      %get3A_392 = arith.index_cast %add3A_339 : i32 to index
      %get3A_393 = arith.constant 16 : index
      %get3A_394 = tpu.vector_load %arg17[%get3A_392, %get3A_393] {strides = array<i32>} : memref<512x32xf32, #tpu.memory_space<vmem>>, vector<1x16xf32>,
      %get3A_395 = vector.shape_cast %get3A_394 : vector<1x16xf32> to vector<16xf32>
      %add3A_396 = arith.addf %get3A_391, %get3A_395 : vector<16xf32>
      %swap3A_397 = arith.index_cast %add3A_339 : i32 to index
      %swap3A_398 = arith.constant 48 : index
      %swap3A_399 = tpu.vector_load %arg18[%swap3A_397, %swap3A_398] {strides = array<i32>} : memref<512x64xf32, #tpu.memory_space<vmem>>, vector<1x16xf32>,
      %swap3A_400 = vector.shape_cast %swap3A_399 : vector<1x16xf32> to vector<16xf32>
      %swap3A_401 = vector.shape_cast %add3A_396 : vector<16xf32> to vector<1x16xf32>
      tpu.vector_store %arg18[%swap3A_397, %swap3A_398], %swap3A_401 {strides = array<i32>} : memref<512x64xf32, #tpu.memory_space<vmem>>, vector<1x16xf32>,
      %mul3A_402 = arith.constant 16 : i32
      %mul3A_403 = arith.muli %scan3A_268, %mul3A_402 : i32
      %add3A_404 = arith.constant 2 : i32
      %add3A_405 = arith.addi %mul3A_403, %add3A_404 : i32
      %slice3A_406 = vector.extract_strided_slice %get3A_272 {offsets = [2], sizes = [1], strides = [1]} : vector<16xf32> to vector<1xf32>
      %squeeze3A_407 = vector.extract %slice3A_406[0] : f32 from vector<1xf32>
      %get3A_408 = arith.index_cast %add3A_405 : i32 to index
      %get3A_409 = arith.constant 0 : index
      %get3A_410 = tpu.vector_load %arg14[%get3A_408, %get3A_409] {strides = array<i32>} : memref<512x32xf32, #tpu.memory_space<vmem>>, vector<1x16xf32>,
      %get3A_411 = vector.shape_cast %get3A_410 : vector<1x16xf32> to vector<16xf32>
      %mul3A_412 = vector.broadcast %squeeze3A_407 : f32 to vector<16xf32>
      %mul3A_413 = arith.mulf %get3A_411, %mul3A_412 : vector<16xf32>
      %get3A_414 = arith.index_cast %add3A_405 : i32 to index
      %get3A_415 = arith.constant 0 : index
      %get3A_416 = tpu.vector_load %arg15[%get3A_414, %get3A_415] {strides = array<i32>} : memref<512x32xf32, #tpu.memory_space<vmem>>, vector<1x16xf32>,
      %get3A_417 = vector.shape_cast %get3A_416 : vector<1x16xf32> to vector<16xf32>
      %add3A_418 = arith.addf %mul3A_413, %get3A_417 : vector<16xf32>
      %swap3A_419 = arith.index_cast %add3A_405 : i32 to index
      %swap3A_420 = arith.constant 0 : index
      %swap3A_421 = tpu.vector_load %arg18[%swap3A_419, %swap3A_420] {strides = array<i32>} : memref<512x64xf32, #tpu.memory_space<vmem>>, vector<1x16xf32>,
      %swap3A_422 = vector.shape_cast %swap3A_421 : vector<1x16xf32> to vector<16xf32>
      %swap3A_423 = vector.shape_cast %add3A_418 : vector<16xf32> to vector<1x16xf32>
      tpu.vector_store %arg18[%swap3A_419, %swap3A_420], %swap3A_423 {strides = array<i32>} : memref<512x64xf32, #tpu.memory_space<vmem>>, vector<1x16xf32>,
      %get3A_424 = arith.index_cast %add3A_405 : i32 to index
      %get3A_425 = arith.constant 16 : index
      %get3A_426 = tpu.vector_load %arg14[%get3A_424, %get3A_425] {strides = array<i32>} : memref<512x32xf32, #tpu.memory_space<vmem>>, vector<1x16xf32>,
      %get3A_427 = vector.shape_cast %get3A_426 : vector<1x16xf32> to vector<16xf32>
      %mul3A_428 = vector.broadcast %squeeze3A_407 : f32 to vector<16xf32>
      %mul3A_429 = arith.mulf %get3A_427, %mul3A_428 : vector<16xf32>
      %get3A_430 = arith.index_cast %add3A_405 : i32 to index
      %get3A_431 = arith.constant 16 : index
      %get3A_432 = tpu.vector_load %arg15[%get3A_430, %get3A_431] {strides = array<i32>} : memref<512x32xf32, #tpu.memory_space<vmem>>, vector<1x16xf32>,
      %get3A_433 = vector.shape_cast %get3A_432 : vector<1x16xf32> to vector<16xf32>
      %add3A_434 = arith.addf %mul3A_429, %get3A_433 : vector<16xf32>
      %swap3A_435 = arith.index_cast %add3A_405 : i32 to index
      %swap3A_436 = arith.constant 16 : index
      %swap3A_437 = tpu.vector_load %arg18[%swap3A_435, %swap3A_436] {strides = array<i32>} : memref<512x64xf32, #tpu.memory_space<vmem>>, vector<1x16xf32>,
      %swap3A_438 = vector.shape_cast %swap3A_437 : vector<1x16xf32> to vector<16xf32>
      %swap3A_439 = vector.shape_cast %add3A_434 : vector<16xf32> to vector<1x16xf32>
      tpu.vector_store %arg18[%swap3A_435, %swap3A_436], %swap3A_439 {strides = array<i32>} : memref<512x64xf32, #tpu.memory_space<vmem>>, vector<1x16xf32>,
      %get3A_440 = arith.index_cast %add3A_405 : i32 to index
      %get3A_441 = arith.constant 0 : index
      %get3A_442 = tpu.vector_load %arg16[%get3A_440, %get3A_441] {strides = array<i32>} : memref<512x32xf32, #tpu.memory_space<vmem>>, vector<1x16xf32>,
      %get3A_443 = vector.shape_cast %get3A_442 : vector<1x16xf32> to vector<16xf32>
      %get3A_444 = arith.index_cast %add3A_405 : i32 to index
      %get3A_445 = arith.constant 0 : index
      %get3A_446 = tpu.vector_load %arg17[%get3A_444, %get3A_445] {strides = array<i32>} : memref<512x32xf32, #tpu.memory_space<vmem>>, vector<1x16xf32>,
      %get3A_447 = vector.shape_cast %get3A_446 : vector<1x16xf32> to vector<16xf32>
      %add3A_448 = arith.addf %get3A_443, %get3A_447 : vector<16xf32>
      %swap3A_449 = arith.index_cast %add3A_405 : i32 to index
      %swap3A_450 = arith.constant 32 : index
      %swap3A_451 = tpu.vector_load %arg18[%swap3A_449, %swap3A_450] {strides = array<i32>} : memref<512x64xf32, #tpu.memory_space<vmem>>, vector<1x16xf32>,
      %swap3A_452 = vector.shape_cast %swap3A_451 : vector<1x16xf32> to vector<16xf32>
      %swap3A_453 = vector.shape_cast %add3A_448 : vector<16xf32> to vector<1x16xf32>
      tpu.vector_store %arg18[%swap3A_449, %swap3A_450], %swap3A_453 {strides = array<i32>} : memref<512x64xf32, #tpu.memory_space<vmem>>, vector<1x16xf32>,
      %get3A_454 = arith.index_cast %add3A_405 : i32 to index
      %get3A_455 = arith.constant 16 : index
      %get3A_456 = tpu.vector_load %arg16[%get3A_454, %get3A_455] {strides = array<i32>} : memref<512x32xf32, #tpu.memory_space<vmem>>, vector<1x16xf32>,
      %get3A_457 = vector.shape_cast %get3A_456 : vector<1x16xf32> to vector<16xf32>
      %get3A_458 = arith.index_cast %add3A_405 : i32 to index
      %get3A_459 = arith.constant 16 : index
      %get3A_460 = tpu.vector_load %arg17[%get3A_458, %get3A_459] {strides = array<i32>} : memref<512x32xf32, #tpu.memory_space<vmem>>, vector<1x16xf32>,
      %get3A_461 = vector.shape_cast %get3A_460 : vector<1x16xf32> to vector<16xf32>
      %add3A_462 = arith.addf %get3A_457, %get3A_461 : vector<16xf32>
      %swap3A_463 = arith.index_cast %add3A_405 : i32 to index
      %swap3A_464 = arith.constant 48 : index
      %swap3A_465 = tpu.vector_load %arg18[%swap3A_463, %swap3A_464] {strides = array<i32>} : memref<512x64xf32, #tpu.memory_space<vmem>>, vector<1x16xf32>,
      %swap3A_466 = vector.shape_cast %swap3A_465 : vector<1x16xf32> to vector<16xf32>
      %swap3A_467 = vector.shape_cast %add3A_462 : vector<16xf32> to vector<1x16xf32>
      tpu.vector_store %arg18[%swap3A_463, %swap3A_464], %swap3A_467 {strides = array<i32>} : memref<512x64xf32, #tpu.memory_space<vmem>>, vector<1x16xf32>,
      %mul3A_468 = arith.constant 16 : i32
      %mul3A_469 = arith.muli %scan3A_268, %mul3A_468 : i32
      %add3A_470 = arith.constant 3 : i32
      %add3A_471 = arith.addi %mul3A_469, %add3A_470 : i32
      %slice3A_472 = vector.extract_strided_slice %get3A_272 {offsets = [3], sizes = [1], strides = [1]} : vector<16xf32> to vector<1xf32>
      %squeeze3A_473 = vector.extract %slice3A_472[0] : f32 from vector<1xf32>
      %get3A_474 = arith.index_cast %add3A_471 : i32 to index
      %get3A_475 = arith.constant 0 : index
      %get3A_476 = tpu.vector_load %arg14[%get3A_474, %get3A_475] {strides = array<i32>} : memref<512x32xf32, #tpu.memory_space<vmem>>, vector<1x16xf32>,
      %get3A_477 = vector.shape_cast %get3A_476 : vector<1x16xf32> to vector<16xf32>
      %mul3A_478 = vector.broadcast %squeeze3A_473 : f32 to vector<16xf32>
      %mul3A_479 = arith.mulf %get3A_477, %mul3A_478 : vector<16xf32>
      %get3A_480 = arith.index_cast %add3A_471 : i32 to index
      %get3A_481 = arith.constant 0 : index
      %get3A_482 = tpu.vector_load %arg15[%get3A_480, %get3A_481] {strides = array<i32>} : memref<512x32xf32, #tpu.memory_space<vmem>>, vector<1x16xf32>,
      %get3A_483 = vector.shape_cast %get3A_482 : vector<1x16xf32> to vector<16xf32>
      %add3A_484 = arith.addf %mul3A_479, %get3A_483 : vector<16xf32>
      %swap3A_485 = arith.index_cast %add3A_471 : i32 to index
      %swap3A_486 = arith.constant 0 : index
      %swap3A_487 = tpu.vector_load %arg18[%swap3A_485, %swap3A_486] {strides = array<i32>} : memref<512x64xf32, #tpu.memory_space<vmem>>, vector<1x16xf32>,
      %swap3A_488 = vector.shape_cast %swap3A_487 : vector<1x16xf32> to vector<16xf32>
      %swap3A_489 = vector.shape_cast %add3A_484 : vector<16xf32> to vector<1x16xf32>
      tpu.vector_store %arg18[%swap3A_485, %swap3A_486], %swap3A_489 {strides = array<i32>} : memref<512x64xf32, #tpu.memory_space<vmem>>, vector<1x16xf32>,
      %get3A_490 = arith.index_cast %add3A_471 : i32 to index
      %get3A_491 = arith.constant 16 : index
      %get3A_492 = tpu.vector_load %arg14[%get3A_490, %get3A_491] {strides = array<i32>} : memref<512x32xf32, #tpu.memory_space<vmem>>, vector<1x16xf32>,
      %get3A_493 = vector.shape_cast %get3A_492 : vector<1x16xf32> to vector<16xf32>
      %mul3A_494 = vector.broadcast %squeeze3A_473 : f32 to vector<16xf32>
      %mul3A_495 = arith.mulf %get3A_493, %mul3A_494 : vector<16xf32>
      %get3A_496 = arith.index_cast %add3A_471 : i32 to index
      %get3A_497 = arith.constant 16 : index
      %get3A_498 = tpu.vector_load %arg15[%get3A_496, %get3A_497] {strides = array<i32>} : memref<512x32xf32, #tpu.memory_space<vmem>>, vector<1x16xf32>,
      %get3A_499 = vector.shape_cast %get3A_498 : vector<1x16xf32> to vector<16xf32>
      %add3A_500 = arith.addf %mul3A_495, %get3A_499 : vector<16xf32>
      %swap3A_501 = arith.index_cast %add3A_471 : i32 to index
      %swap3A_502 = arith.constant 16 : index
      %swap3A_503 = tpu.vector_load %arg18[%swap3A_501, %swap3A_502] {strides = array<i32>} : memref<512x64xf32, #tpu.memory_space<vmem>>, vector<1x16xf32>,
      %swap3A_504 = vector.shape_cast %swap3A_503 : vector<1x16xf32> to vector<16xf32>
      %swap3A_505 = vector.shape_cast %add3A_500 : vector<16xf32> to vector<1x16xf32>
      tpu.vector_store %arg18[%swap3A_501, %swap3A_502], %swap3A_505 {strides = array<i32>} : memref<512x64xf32, #tpu.memory_space<vmem>>, vector<1x16xf32>,
      %get3A_506 = arith.index_cast %add3A_471 : i32 to index
      %get3A_507 = arith.constant 0 : index
      %get3A_508 = tpu.vector_load %arg16[%get3A_506, %get3A_507] {strides = array<i32>} : memref<512x32xf32, #tpu.memory_space<vmem>>, vector<1x16xf32>,
      %get3A_509 = vector.shape_cast %get3A_508 : vector<1x16xf32> to vector<16xf32>
      %get3A_510 = arith.index_cast %add3A_471 : i32 to index
      %get3A_511 = arith.constant 0 : index
      %get3A_512 = tpu.vector_load %arg17[%get3A_510, %get3A_511] {strides = array<i32>} : memref<512x32xf32, #tpu.memory_space<vmem>>, vector<1x16xf32>,
      %get3A_513 = vector.shape_cast %get3A_512 : vector<1x16xf32> to vector<16xf32>
      %add3A_514 = arith.addf %get3A_509, %get3A_513 : vector<16xf32>
      %swap3A_515 = arith.index_cast %add3A_471 : i32 to index
      %swap3A_516 = arith.constant 32 : index
      %swap3A_517 = tpu.vector_load %arg18[%swap3A_515, %swap3A_516] {strides = array<i32>} : memref<512x64xf32, #tpu.memory_space<vmem>>, vector<1x16xf32>,
      %swap3A_518 = vector.shape_cast %swap3A_517 : vector<1x16xf32> to vector<16xf32>
      %swap3A_519 = vector.shape_cast %add3A_514 : vector<16xf32> to vector<1x16xf32>
      tpu.vector_store %arg18[%swap3A_515, %swap3A_516], %swap3A_519 {strides = array<i32>} : memref<512x64xf32, #tpu.memory_space<vmem>>, vector<1x16xf32>,
      %get3A_520 = arith.index_cast %add3A_471 : i32 to index
      %get3A_521 = arith.constant 16 : index
      %get3A_522 = tpu.vector_load %arg16[%get3A_520, %get3A_521] {strides = array<i32>} : memref<512x32xf32, #tpu.memory_space<vmem>>, vector<1x16xf32>,
      %get3A_523 = vector.shape_cast %get3A_522 : vector<1x16xf32> to vector<16xf32>
      %get3A_524 = arith.index_cast %add3A_471 : i32 to index
      %get3A_525 = arith.constant 16 : index
      %get3A_526 = tpu.vector_load %arg17[%get3A_524, %get3A_525] {strides = array<i32>} : memref<512x32xf32, #tpu.memory_space<vmem>>, vector<1x16xf32>,
      %get3A_527 = vector.shape_cast %get3A_526 : vector<1x16xf32> to vector<16xf32>
      %add3A_528 = arith.addf %get3A_523, %get3A_527 : vector<16xf32>
      %swap3A_529 = arith.index_cast %add3A_471 : i32 to index
      %swap3A_530 = arith.constant 48 : index
      %swap3A_531 = tpu.vector_load %arg18[%swap3A_529, %swap3A_530] {strides = array<i32>} : memref<512x64xf32, #tpu.memory_space<vmem>>, vector<1x16xf32>,
      %swap3A_532 = vector.shape_cast %swap3A_531 : vector<1x16xf32> to vector<16xf32>
      %swap3A_533 = vector.shape_cast %add3A_528 : vector<16xf32> to vector<1x16xf32>
      tpu.vector_store %arg18[%swap3A_529, %swap3A_530], %swap3A_533 {strides = array<i32>} : memref<512x64xf32, #tpu.memory_space<vmem>>, vector<1x16xf32>,
      %mul3A_534 = arith.constant 16 : i32
      %mul3A_535 = arith.muli %scan3A_268, %mul3A_534 : i32
      %add3A_536 = arith.constant 4 : i32
      %add3A_537 = arith.addi %mul3A_535, %add3A_536 : i32
      %slice3A_538 = vector.extract_strided_slice %get3A_272 {offsets = [4], sizes = [1], strides = [1]} : vector<16xf32> to vector<1xf32>
      %squeeze3A_539 = vector.extract %slice3A_538[0] : f32 from vector<1xf32>
      %get3A_540 = arith.index_cast %add3A_537 : i32 to index
      %get3A_541 = arith.constant 0 : index
      %get3A_542 = tpu.vector_load %arg14[%get3A_540, %get3A_541] {strides = array<i32>} : memref<512x32xf32, #tpu.memory_space<vmem>>, vector<1x16xf32>,
      %get3A_543 = vector.shape_cast %get3A_542 : vector<1x16xf32> to vector<16xf32>
      %mul3A_544 = vector.broadcast %squeeze3A_539 : f32 to vector<16xf32>
      %mul3A_545 = arith.mulf %get3A_543, %mul3A_544 : vector<16xf32>
      %get3A_546 = arith.index_cast %add3A_537 : i32 to index
      %get3A_547 = arith.constant 0 : index
      %get3A_548 = tpu.vector_load %arg15[%get3A_546, %get3A_547] {strides = array<i32>} : memref<512x32xf32, #tpu.memory_space<vmem>>, vector<1x16xf32>,
      %get3A_549 = vector.shape_cast %get3A_548 : vector<1x16xf32> to vector<16xf32>
      %add3A_550 = arith.addf %mul3A_545, %get3A_549 : vector<16xf32>
      %swap3A_551 = arith.index_cast %add3A_537 : i32 to index
      %swap3A_552 = arith.constant 0 : index
      %swap3A_553 = tpu.vector_load %arg18[%swap3A_551, %swap3A_552] {strides = array<i32>} : memref<512x64xf32, #tpu.memory_space<vmem>>, vector<1x16xf32>,
      %swap3A_554 = vector.shape_cast %swap3A_553 : vector<1x16xf32> to vector<16xf32>
      %swap3A_555 = vector.shape_cast %add3A_550 : vector<16xf32> to vector<1x16xf32>
      tpu.vector_store %arg18[%swap3A_551, %swap3A_552], %swap3A_555 {strides = array<i32>} : memref<512x64xf32, #tpu.memory_space<vmem>>, vector<1x16xf32>,
      %get3A_556 = arith.index_cast %add3A_537 : i32 to index
      %get3A_557 = arith.constant 16 : index
      %get3A_558 = tpu.vector_load %arg14[%get3A_556, %get3A_557] {strides = array<i32>} : memref<512x32xf32, #tpu.memory_space<vmem>>, vector<1x16xf32>,
      %get3A_559 = vector.shape_cast %get3A_558 : vector<1x16xf32> to vector<16xf32>
      %mul3A_560 = vector.broadcast %squeeze3A_539 : f32 to vector<16xf32>
      %mul3A_561 = arith.mulf %get3A_559, %mul3A_560 : vector<16xf32>
      %get3A_562 = arith.index_cast %add3A_537 : i32 to index
      %get3A_563 = arith.constant 16 : index
      %get3A_564 = tpu.vector_load %arg15[%get3A_562, %get3A_563] {strides = array<i32>} : memref<512x32xf32, #tpu.memory_space<vmem>>, vector<1x16xf32>,
      %get3A_565 = vector.shape_cast %get3A_564 : vector<1x16xf32> to vector<16xf32>
      %add3A_566 = arith.addf %mul3A_561, %get3A_565 : vector<16xf32>
      %swap3A_567 = arith.index_cast %add3A_537 : i32 to index
      %swap3A_568 = arith.constant 16 : index
      %swap3A_569 = tpu.vector_load %arg18[%swap3A_567, %swap3A_568] {strides = array<i32>} : memref<512x64xf32, #tpu.memory_space<vmem>>, vector<1x16xf32>,
      %swap3A_570 = vector.shape_cast %swap3A_569 : vector<1x16xf32> to vector<16xf32>
      %swap3A_571 = vector.shape_cast %add3A_566 : vector<16xf32> to vector<1x16xf32>
      tpu.vector_store %arg18[%swap3A_567, %swap3A_568], %swap3A_571 {strides = array<i32>} : memref<512x64xf32, #tpu.memory_space<vmem>>, vector<1x16xf32>,
      %get3A_572 = arith.index_cast %add3A_537 : i32 to index
      %get3A_573 = arith.constant 0 : index
      %get3A_574 = tpu.vector_load %arg16[%get3A_572, %get3A_573] {strides = array<i32>} : memref<512x32xf32, #tpu.memory_space<vmem>>, vector<1x16xf32>,
      %get3A_575 = vector.shape_cast %get3A_574 : vector<1x16xf32> to vector<16xf32>
      %get3A_576 = arith.index_cast %add3A_537 : i32 to index
      %get3A_577 = arith.constant 0 : index
      %get3A_578 = tpu.vector_load %arg17[%get3A_576, %get3A_577] {strides = array<i32>} : memref<512x32xf32, #tpu.memory_space<vmem>>, vector<1x16xf32>,
      %get3A_579 = vector.shape_cast %get3A_578 : vector<1x16xf32> to vector<16xf32>
      %add3A_580 = arith.addf %get3A_575, %get3A_579 : vector<16xf32>
      %swap3A_581 = arith.index_cast %add3A_537 : i32 to index
      %swap3A_582 = arith.constant 32 : index
      %swap3A_583 = tpu.vector_load %arg18[%swap3A_581, %swap3A_582] {strides = array<i32>} : memref<512x64xf32, #tpu.memory_space<vmem>>, vector<1x16xf32>,
      %swap3A_584 = vector.shape_cast %swap3A_583 : vector<1x16xf32> to vector<16xf32>
      %swap3A_585 = vector.shape_cast %add3A_580 : vector<16xf32> to vector<1x16xf32>
      tpu.vector_store %arg18[%swap3A_581, %swap3A_582], %swap3A_585 {strides = array<i32>} : memref<512x64xf32, #tpu.memory_space<vmem>>, vector<1x16xf32>,
      %get3A_586 = arith.index_cast %add3A_537 : i32 to index
      %get3A_587 = arith.constant 16 : index
      %get3A_588 = tpu.vector_load %arg16[%get3A_586, %get3A_587] {strides = array<i32>} : memref<512x32xf32, #tpu.memory_space<vmem>>, vector<1x16xf32>,
      %get3A_589 = vector.shape_cast %get3A_588 : vector<1x16xf32> to vector<16xf32>
      %get3A_590 = arith.index_cast %add3A_537 : i32 to index
      %get3A_591 = arith.constant 16 : index
      %get3A_592 = tpu.vector_load %arg17[%get3A_590, %get3A_591] {strides = array<i32>} : memref<512x32xf32, #tpu.memory_space<vmem>>, vector<1x16xf32>,
      %get3A_593 = vector.shape_cast %get3A_592 : vector<1x16xf32> to vector<16xf32>
      %add3A_594 = arith.addf %get3A_589, %get3A_593 : vector<16xf32>
      %swap3A_595 = arith.index_cast %add3A_537 : i32 to index
      %swap3A_596 = arith.constant 48 : index
      %swap3A_597 = tpu.vector_load %arg18[%swap3A_595, %swap3A_596] {strides = array<i32>} : memref<512x64xf32, #tpu.memory_space<vmem>>, vector<1x16xf32>,
      %swap3A_598 = vector.shape_cast %swap3A_597 : vector<1x16xf32> to vector<16xf32>
      %swap3A_599 = vector.shape_cast %add3A_594 : vector<16xf32> to vector<1x16xf32>
      tpu.vector_store %arg18[%swap3A_595, %swap3A_596], %swap3A_599 {strides = array<i32>} : memref<512x64xf32, #tpu.memory_space<vmem>>, vector<1x16xf32>,
      %mul3A_600 = arith.constant 16 : i32
      %mul3A_601 = arith.muli %scan3A_268, %mul3A_600 : i32
      %add3A_602 = arith.constant 5 : i32
      %add3A_603 = arith.addi %mul3A_601, %add3A_602 : i32
      %slice3A_604 = vector.extract_strided_slice %get3A_272 {offsets = [5], sizes = [1], strides = [1]} : vector<16xf32> to vector<1xf32>
      %squeeze3A_605 = vector.extract %slice3A_604[0] : f32 from vector<1xf32>
      %get3A_606 = arith.index_cast %add3A_603 : i32 to index
      %get3A_607 = arith.constant 0 : index
      %get3A_608 = tpu.vector_load %arg14[%get3A_606, %get3A_607] {strides = array<i32>} : memref<512x32xf32, #tpu.memory_space<vmem>>, vector<1x16xf32>,
      %get3A_609 = vector.shape_cast %get3A_608 : vector<1x16xf32> to vector<16xf32>
      %mul3A_610 = vector.broadcast %squeeze3A_605 : f32 to vector<16xf32>
      %mul3A_611 = arith.mulf %get3A_609, %mul3A_610 : vector<16xf32>
      %get3A_612 = arith.index_cast %add3A_603 : i32 to index
      %get3A_613 = arith.constant 0 : index
      %get3A_614 = tpu.vector_load %arg15[%get3A_612, %get3A_613] {strides = array<i32>} : memref<512x32xf32, #tpu.memory_space<vmem>>, vector<1x16xf32>,
      %get3A_615 = vector.shape_cast %get3A_614 : vector<1x16xf32> to vector<16xf32>
      %add3A_616 = arith.addf %mul3A_611, %get3A_615 : vector<16xf32>
      %swap3A_617 = arith.index_cast %add3A_603 : i32 to index
      %swap3A_618 = arith.constant 0 : index
      %swap3A_619 = tpu.vector_load %arg18[%swap3A_617, %swap3A_618] {strides = array<i32>} : memref<512x64xf32, #tpu.memory_space<vmem>>, vector<1x16xf32>,
      %swap3A_620 = vector.shape_cast %swap3A_619 : vector<1x16xf32> to vector<16xf32>
      %swap3A_621 = vector.shape_cast %add3A_616 : vector<16xf32> to vector<1x16xf32>
      tpu.vector_store %arg18[%swap3A_617, %swap3A_618], %swap3A_621 {strides = array<i32>} : memref<512x64xf32, #tpu.memory_space<vmem>>, vector<1x16xf32>,
      %get3A_622 = arith.index_cast %add3A_603 : i32 to index
      %get3A_623 = arith.constant 16 : index
      %get3A_624 = tpu.vector_load %arg14[%get3A_622, %get3A_623] {strides = array<i32>} : memref<512x32xf32, #tpu.memory_space<vmem>>, vector<1x16xf32>,
      %get3A_625 = vector.shape_cast %get3A_624 : vector<1x16xf32> to vector<16xf32>
      %mul3A_626 = vector.broadcast %squeeze3A_605 : f32 to vector<16xf32>
      %mul3A_627 = arith.mulf %get3A_625, %mul3A_626 : vector<16xf32>
      %get3A_628 = arith.index_cast %add3A_603 : i32 to index
      %get3A_629 = arith.constant 16 : index
      %get3A_630 = tpu.vector_load %arg15[%get3A_628, %get3A_629] {strides = array<i32>} : memref<512x32xf32, #tpu.memory_space<vmem>>, vector<1x16xf32>,
      %get3A_631 = vector.shape_cast %get3A_630 : vector<1x16xf32> to vector<16xf32>
      %add3A_632 = arith.addf %mul3A_627, %get3A_631 : vector<16xf32>
      %swap3A_633 = arith.index_cast %add3A_603 : i32 to index
      %swap3A_634 = arith.constant 16 : index
      %swap3A_635 = tpu.vector_load %arg18[%swap3A_633, %swap3A_634] {strides = array<i32>} : memref<512x64xf32, #tpu.memory_space<vmem>>, vector<1x16xf32>,
      %swap3A_636 = vector.shape_cast %swap3A_635 : vector<1x16xf32> to vector<16xf32>
      %swap3A_637 = vector.shape_cast %add3A_632 : vector<16xf32> to vector<1x16xf32>
      tpu.vector_store %arg18[%swap3A_633, %swap3A_634], %swap3A_637 {strides = array<i32>} : memref<512x64xf32, #tpu.memory_space<vmem>>, vector<1x16xf32>,
      %get3A_638 = arith.index_cast %add3A_603 : i32 to index
      %get3A_639 = arith.constant 0 : index
      %get3A_640 = tpu.vector_load %arg16[%get3A_638, %get3A_639] {strides = array<i32>} : memref<512x32xf32, #tpu.memory_space<vmem>>, vector<1x16xf32>,
      %get3A_641 = vector.shape_cast %get3A_640 : vector<1x16xf32> to vector<16xf32>
      %get3A_642 = arith.index_cast %add3A_603 : i32 to index
      %get3A_643 = arith.constant 0 : index
      %get3A_644 = tpu.vector_load %arg17[%get3A_642, %get3A_643] {strides = array<i32>} : memref<512x32xf32, #tpu.memory_space<vmem>>, vector<1x16xf32>,
      %get3A_645 = vector.shape_cast %get3A_644 : vector<1x16xf32> to vector<16xf32>
      %add3A_646 = arith.addf %get3A_641, %get3A_645 : vector<16xf32>
      %swap3A_647 = arith.index_cast %add3A_603 : i32 to index
      %swap3A_648 = arith.constant 32 : index
      %swap3A_649 = tpu.vector_load %arg18[%swap3A_647, %swap3A_648] {strides = array<i32>} : memref<512x64xf32, #tpu.memory_space<vmem>>, vector<1x16xf32>,
      %swap3A_650 = vector.shape_cast %swap3A_649 : vector<1x16xf32> to vector<16xf32>
      %swap3A_651 = vector.shape_cast %add3A_646 : vector<16xf32> to vector<1x16xf32>
      tpu.vector_store %arg18[%swap3A_647, %swap3A_648], %swap3A_651 {strides = array<i32>} : memref<512x64xf32, #tpu.memory_space<vmem>>, vector<1x16xf32>,
      %get3A_652 = arith.index_cast %add3A_603 : i32 to index
      %get3A_653 = arith.constant 16 : index
      %get3A_654 = tpu.vector_load %arg16[%get3A_652, %get3A_653] {strides = array<i32>} : memref<512x32xf32, #tpu.memory_space<vmem>>, vector<1x16xf32>,
      %get3A_655 = vector.shape_cast %get3A_654 : vector<1x16xf32> to vector<16xf32>
      %get3A_656 = arith.index_cast %add3A_603 : i32 to index
      %get3A_657 = arith.constant 16 : index
      %get3A_658 = tpu.vector_load %arg17[%get3A_656, %get3A_657] {strides = array<i32>} : memref<512x32xf32, #tpu.memory_space<vmem>>, vector<1x16xf32>,
      %get3A_659 = vector.shape_cast %get3A_658 : vector<1x16xf32> to vector<16xf32>
      %add3A_660 = arith.addf %get3A_655, %get3A_659 : vector<16xf32>
      %swap3A_661 = arith.index_cast %add3A_603 : i32 to index
      %swap3A_662 = arith.constant 48 : index
      %swap3A_663 = tpu.vector_load %arg18[%swap3A_661, %swap3A_662] {strides = array<i32>} : memref<512x64xf32, #tpu.memory_space<vmem>>, vector<1x16xf32>,
      %swap3A_664 = vector.shape_cast %swap3A_663 : vector<1x16xf32> to vector<16xf32>
      %swap3A_665 = vector.shape_cast %add3A_660 : vector<16xf32> to vector<1x16xf32>
      tpu.vector_store %arg18[%swap3A_661, %swap3A_662], %swap3A_665 {strides = array<i32>} : memref<512x64xf32, #tpu.memory_space<vmem>>, vector<1x16xf32>,
      %mul3A_666 = arith.constant 16 : i32
      %mul3A_667 = arith.muli %scan3A_268, %mul3A_666 : i32
      %add3A_668 = arith.constant 6 : i32
      %add3A_669 = arith.addi %mul3A_667, %add3A_668 : i32
      %slice3A_670 = vector.extract_strided_slice %get3A_272 {offsets = [6], sizes = [1], strides = [1]} : vector<16xf32> to vector<1xf32>
      %squeeze3A_671 = vector.extract %slice3A_670[0] : f32 from vector<1xf32>
      %get3A_672 = arith.index_cast %add3A_669 : i32 to index
      %get3A_673 = arith.constant 0 : index
      %get3A_674 = tpu.vector_load %arg14[%get3A_672, %get3A_673] {strides = array<i32>} : memref<512x32xf32, #tpu.memory_space<vmem>>, vector<1x16xf32>,
      %get3A_675 = vector.shape_cast %get3A_674 : vector<1x16xf32> to vector<16xf32>
      %mul3A_676 = vector.broadcast %squeeze3A_671 : f32 to vector<16xf32>
      %mul3A_677 = arith.mulf %get3A_675, %mul3A_676 : vector<16xf32>
      %get3A_678 = arith.index_cast %add3A_669 : i32 to index
      %get3A_679 = arith.constant 0 : index
      %get3A_680 = tpu.vector_load %arg15[%get3A_678, %get3A_679] {strides = array<i32>} : memref<512x32xf32, #tpu.memory_space<vmem>>, vector<1x16xf32>,
      %get3A_681 = vector.shape_cast %get3A_680 : vector<1x16xf32> to vector<16xf32>
      %add3A_682 = arith.addf %mul3A_677, %get3A_681 : vector<16xf32>
      %swap3A_683 = arith.index_cast %add3A_669 : i32 to index
      %swap3A_684 = arith.constant 0 : index
      %swap3A_685 = tpu.vector_load %arg18[%swap3A_683, %swap3A_684] {strides = array<i32>} : memref<512x64xf32, #tpu.memory_space<vmem>>, vector<1x16xf32>,
      %swap3A_686 = vector.shape_cast %swap3A_685 : vector<1x16xf32> to vector<16xf32>
      %swap3A_687 = vector.shape_cast %add3A_682 : vector<16xf32> to vector<1x16xf32>
      tpu.vector_store %arg18[%swap3A_683, %swap3A_684], %swap3A_687 {strides = array<i32>} : memref<512x64xf32, #tpu.memory_space<vmem>>, vector<1x16xf32>,
      %get3A_688 = arith.index_cast %add3A_669 : i32 to index
      %get3A_689 = arith.constant 16 : index
      %get3A_690 = tpu.vector_load %arg14[%get3A_688, %get3A_689] {strides = array<i32>} : memref<512x32xf32, #tpu.memory_space<vmem>>, vector<1x16xf32>,
      %get3A_691 = vector.shape_cast %get3A_690 : vector<1x16xf32> to vector<16xf32>
      %mul3A_692 = vector.broadcast %squeeze3A_671 : f32 to vector<16xf32>
      %mul3A_693 = arith.mulf %get3A_691, %mul3A_692 : vector<16xf32>
      %get3A_694 = arith.index_cast %add3A_669 : i32 to index
      %get3A_695 = arith.constant 16 : index
      %get3A_696 = tpu.vector_load %arg15[%get3A_694, %get3A_695] {strides = array<i32>} : memref<512x32xf32, #tpu.memory_space<vmem>>, vector<1x16xf32>,
      %get3A_697 = vector.shape_cast %get3A_696 : vector<1x16xf32> to vector<16xf32>
      %add3A_698 = arith.addf %mul3A_693, %get3A_697 : vector<16xf32>
      %swap3A_699 = arith.index_cast %add3A_669 : i32 to index
      %swap3A_700 = arith.constant 16 : index
      %swap3A_701 = tpu.vector_load %arg18[%swap3A_699, %swap3A_700] {strides = array<i32>} : memref<512x64xf32, #tpu.memory_space<vmem>>, vector<1x16xf32>,
      %swap3A_702 = vector.shape_cast %swap3A_701 : vector<1x16xf32> to vector<16xf32>
      %swap3A_703 = vector.shape_cast %add3A_698 : vector<16xf32> to vector<1x16xf32>
      tpu.vector_store %arg18[%swap3A_699, %swap3A_700], %swap3A_703 {strides = array<i32>} : memref<512x64xf32, #tpu.memory_space<vmem>>, vector<1x16xf32>,
      %get3A_704 = arith.index_cast %add3A_669 : i32 to index
      %get3A_705 = arith.constant 0 : index
      %get3A_706 = tpu.vector_load %arg16[%get3A_704, %get3A_705] {strides = array<i32>} : memref<512x32xf32, #tpu.memory_space<vmem>>, vector<1x16xf32>,
      %get3A_707 = vector.shape_cast %get3A_706 : vector<1x16xf32> to vector<16xf32>
      %get3A_708 = arith.index_cast %add3A_669 : i32 to index
      %get3A_709 = arith.constant 0 : index
      %get3A_710 = tpu.vector_load %arg17[%get3A_708, %get3A_709] {strides = array<i32>} : memref<512x32xf32, #tpu.memory_space<vmem>>, vector<1x16xf32>,
      %get3A_711 = vector.shape_cast %get3A_710 : vector<1x16xf32> to vector<16xf32>
      %add3A_712 = arith.addf %get3A_707, %get3A_711 : vector<16xf32>
      %swap3A_713 = arith.index_cast %add3A_669 : i32 to index
      %swap3A_714 = arith.constant 32 : index
      %swap3A_715 = tpu.vector_load %arg18[%swap3A_713, %swap3A_714] {strides = array<i32>} : memref<512x64xf32, #tpu.memory_space<vmem>>, vector<1x16xf32>,
      %swap3A_716 = vector.shape_cast %swap3A_715 : vector<1x16xf32> to vector<16xf32>
      %swap3A_717 = vector.shape_cast %add3A_712 : vector<16xf32> to vector<1x16xf32>
      tpu.vector_store %arg18[%swap3A_713, %swap3A_714], %swap3A_717 {strides = array<i32>} : memref<512x64xf32, #tpu.memory_space<vmem>>, vector<1x16xf32>,
      %get3A_718 = arith.index_cast %add3A_669 : i32 to index
      %get3A_719 = arith.constant 16 : index
      %get3A_720 = tpu.vector_load %arg16[%get3A_718, %get3A_719] {strides = array<i32>} : memref<512x32xf32, #tpu.memory_space<vmem>>, vector<1x16xf32>,
      %get3A_721 = vector.shape_cast %get3A_720 : vector<1x16xf32> to vector<16xf32>
      %get3A_722 = arith.index_cast %add3A_669 : i32 to index
      %get3A_723 = arith.constant 16 : index
      %get3A_724 = tpu.vector_load %arg17[%get3A_722, %get3A_723] {strides = array<i32>} : memref<512x32xf32, #tpu.memory_space<vmem>>, vector<1x16xf32>,
      %get3A_725 = vector.shape_cast %get3A_724 : vector<1x16xf32> to vector<16xf32>
      %add3A_726 = arith.addf %get3A_721, %get3A_725 : vector<16xf32>
      %swap3A_727 = arith.index_cast %add3A_669 : i32 to index
      %swap3A_728 = arith.constant 48 : index
      %swap3A_729 = tpu.vector_load %arg18[%swap3A_727, %swap3A_728] {strides = array<i32>} : memref<512x64xf32, #tpu.memory_space<vmem>>, vector<1x16xf32>,
      %swap3A_730 = vector.shape_cast %swap3A_729 : vector<1x16xf32> to vector<16xf32>
      %swap3A_731 = vector.shape_cast %add3A_726 : vector<16xf32> to vector<1x16xf32>
      tpu.vector_store %arg18[%swap3A_727, %swap3A_728], %swap3A_731 {strides = array<i32>} : memref<512x64xf32, #tpu.memory_space<vmem>>, vector<1x16xf32>,
      %mul3A_732 = arith.constant 16 : i32
      %mul3A_733 = arith.muli %scan3A_268, %mul3A_732 : i32
      %add3A_734 = arith.constant 7 : i32
      %add3A_735 = arith.addi %mul3A_733, %add3A_734 : i32
      %slice3A_736 = vector.extract_strided_slice %get3A_272 {offsets = [7], sizes = [1], strides = [1]} : vector<16xf32> to vector<1xf32>
      %squeeze3A_737 = vector.extract %slice3A_736[0] : f32 from vector<1xf32>
      %get3A_738 = arith.index_cast %add3A_735 : i32 to index
      %get3A_739 = arith.constant 0 : index
      %get3A_740 = tpu.vector_load %arg14[%get3A_738, %get3A_739] {strides = array<i32>} : memref<512x32xf32, #tpu.memory_space<vmem>>, vector<1x16xf32>,
      %get3A_741 = vector.shape_cast %get3A_740 : vector<1x16xf32> to vector<16xf32>
      %mul3A_742 = vector.broadcast %squeeze3A_737 : f32 to vector<16xf32>
      %mul3A_743 = arith.mulf %get3A_741, %mul3A_742 : vector<16xf32>
      %get3A_744 = arith.index_cast %add3A_735 : i32 to index
      %get3A_745 = arith.constant 0 : index
      %get3A_746 = tpu.vector_load %arg15[%get3A_744, %get3A_745] {strides = array<i32>} : memref<512x32xf32, #tpu.memory_space<vmem>>, vector<1x16xf32>,
      %get3A_747 = vector.shape_cast %get3A_746 : vector<1x16xf32> to vector<16xf32>
      %add3A_748 = arith.addf %mul3A_743, %get3A_747 : vector<16xf32>
      %swap3A_749 = arith.index_cast %add3A_735 : i32 to index
      %swap3A_750 = arith.constant 0 : index
      %swap3A_751 = tpu.vector_load %arg18[%swap3A_749, %swap3A_750] {strides = array<i32>} : memref<512x64xf32, #tpu.memory_space<vmem>>, vector<1x16xf32>,
      %swap3A_752 = vector.shape_cast %swap3A_751 : vector<1x16xf32> to vector<16xf32>
      %swap3A_753 = vector.shape_cast %add3A_748 : vector<16xf32> to vector<1x16xf32>
      tpu.vector_store %arg18[%swap3A_749, %swap3A_750], %swap3A_753 {strides = array<i32>} : memref<512x64xf32, #tpu.memory_space<vmem>>, vector<1x16xf32>,
      %get3A_754 = arith.index_cast %add3A_735 : i32 to index
      %get3A_755 = arith.constant 16 : index
      %get3A_756 = tpu.vector_load %arg14[%get3A_754, %get3A_755] {strides = array<i32>} : memref<512x32xf32, #tpu.memory_space<vmem>>, vector<1x16xf32>,
      %get3A_757 = vector.shape_cast %get3A_756 : vector<1x16xf32> to vector<16xf32>
      %mul3A_758 = vector.broadcast %squeeze3A_737 : f32 to vector<16xf32>
      %mul3A_759 = arith.mulf %get3A_757, %mul3A_758 : vector<16xf32>
      %get3A_760 = arith.index_cast %add3A_735 : i32 to index
      %get3A_761 = arith.constant 16 : index
      %get3A_762 = tpu.vector_load %arg15[%get3A_760, %get3A_761] {strides = array<i32>} : memref<512x32xf32, #tpu.memory_space<vmem>>, vector<1x16xf32>,
      %get3A_763 = vector.shape_cast %get3A_762 : vector<1x16xf32> to vector<16xf32>
      %add3A_764 = arith.addf %mul3A_759, %get3A_763 : vector<16xf32>
      %swap3A_765 = arith.index_cast %add3A_735 : i32 to index
      %swap3A_766 = arith.constant 16 : index
      %swap3A_767 = tpu.vector_load %arg18[%swap3A_765, %swap3A_766] {strides = array<i32>} : memref<512x64xf32, #tpu.memory_space<vmem>>, vector<1x16xf32>,
      %swap3A_768 = vector.shape_cast %swap3A_767 : vector<1x16xf32> to vector<16xf32>
      %swap3A_769 = vector.shape_cast %add3A_764 : vector<16xf32> to vector<1x16xf32>
      tpu.vector_store %arg18[%swap3A_765, %swap3A_766], %swap3A_769 {strides = array<i32>} : memref<512x64xf32, #tpu.memory_space<vmem>>, vector<1x16xf32>,
      %get3A_770 = arith.index_cast %add3A_735 : i32 to index
      %get3A_771 = arith.constant 0 : index
      %get3A_772 = tpu.vector_load %arg16[%get3A_770, %get3A_771] {strides = array<i32>} : memref<512x32xf32, #tpu.memory_space<vmem>>, vector<1x16xf32>,
      %get3A_773 = vector.shape_cast %get3A_772 : vector<1x16xf32> to vector<16xf32>
      %get3A_774 = arith.index_cast %add3A_735 : i32 to index
      %get3A_775 = arith.constant 0 : index
      %get3A_776 = tpu.vector_load %arg17[%get3A_774, %get3A_775] {strides = array<i32>} : memref<512x32xf32, #tpu.memory_space<vmem>>, vector<1x16xf32>,
      %get3A_777 = vector.shape_cast %get3A_776 : vector<1x16xf32> to vector<16xf32>
      %add3A_778 = arith.addf %get3A_773, %get3A_777 : vector<16xf32>
      %swap3A_779 = arith.index_cast %add3A_735 : i32 to index
      %swap3A_780 = arith.constant 32 : index
      %swap3A_781 = tpu.vector_load %arg18[%swap3A_779, %swap3A_780] {strides = array<i32>} : memref<512x64xf32, #tpu.memory_space<vmem>>, vector<1x16xf32>,
      %swap3A_782 = vector.shape_cast %swap3A_781 : vector<1x16xf32> to vector<16xf32>
      %swap3A_783 = vector.shape_cast %add3A_778 : vector<16xf32> to vector<1x16xf32>
      tpu.vector_store %arg18[%swap3A_779, %swap3A_780], %swap3A_783 {strides = array<i32>} : memref<512x64xf32, #tpu.memory_space<vmem>>, vector<1x16xf32>,
      %get3A_784 = arith.index_cast %add3A_735 : i32 to index
      %get3A_785 = arith.constant 16 : index
      %get3A_786 = tpu.vector_load %arg16[%get3A_784, %get3A_785] {strides = array<i32>} : memref<512x32xf32, #tpu.memory_space<vmem>>, vector<1x16xf32>,
      %get3A_787 = vector.shape_cast %get3A_786 : vector<1x16xf32> to vector<16xf32>
      %get3A_788 = arith.index_cast %add3A_735 : i32 to index
      %get3A_789 = arith.constant 16 : index
      %get3A_790 = tpu.vector_load %arg17[%get3A_788, %get3A_789] {strides = array<i32>} : memref<512x32xf32, #tpu.memory_space<vmem>>, vector<1x16xf32>,
      %get3A_791 = vector.shape_cast %get3A_790 : vector<1x16xf32> to vector<16xf32>
      %add3A_792 = arith.addf %get3A_787, %get3A_791 : vector<16xf32>
      %swap3A_793 = arith.index_cast %add3A_735 : i32 to index
      %swap3A_794 = arith.constant 48 : index
      %swap3A_795 = tpu.vector_load %arg18[%swap3A_793, %swap3A_794] {strides = array<i32>} : memref<512x64xf32, #tpu.memory_space<vmem>>, vector<1x16xf32>,
      %swap3A_796 = vector.shape_cast %swap3A_795 : vector<1x16xf32> to vector<16xf32>
      %swap3A_797 = vector.shape_cast %add3A_792 : vector<16xf32> to vector<1x16xf32>
      tpu.vector_store %arg18[%swap3A_793, %swap3A_794], %swap3A_797 {strides = array<i32>} : memref<512x64xf32, #tpu.memory_space<vmem>>, vector<1x16xf32>,
      %mul3A_798 = arith.constant 16 : i32
      %mul3A_799 = arith.muli %scan3A_268, %mul3A_798 : i32
      %add3A_800 = arith.constant 8 : i32
      %add3A_801 = arith.addi %mul3A_799, %add3A_800 : i32
      %slice3A_802 = vector.extract_strided_slice %get3A_272 {offsets = [8], sizes = [1], strides = [1]} : vector<16xf32> to vector<1xf32>
      %squeeze3A_803 = vector.extract %slice3A_802[0] : f32 from vector<1xf32>
      %get3A_804 = arith.index_cast %add3A_801 : i32 to index
      %get3A_805 = arith.constant 0 : index
      %get3A_806 = tpu.vector_load %arg14[%get3A_804, %get3A_805] {strides = array<i32>} : memref<512x32xf32, #tpu.memory_space<vmem>>, vector<1x16xf32>,
      %get3A_807 = vector.shape_cast %get3A_806 : vector<1x16xf32> to vector<16xf32>
      %mul3A_808 = vector.broadcast %squeeze3A_803 : f32 to vector<16xf32>
      %mul3A_809 = arith.mulf %get3A_807, %mul3A_808 : vector<16xf32>
      %get3A_810 = arith.index_cast %add3A_801 : i32 to index
      %get3A_811 = arith.constant 0 : index
      %get3A_812 = tpu.vector_load %arg15[%get3A_810, %get3A_811] {strides = array<i32>} : memref<512x32xf32, #tpu.memory_space<vmem>>, vector<1x16xf32>,
      %get3A_813 = vector.shape_cast %get3A_812 : vector<1x16xf32> to vector<16xf32>
      %add3A_814 = arith.addf %mul3A_809, %get3A_813 : vector<16xf32>
      %swap3A_815 = arith.index_cast %add3A_801 : i32 to index
      %swap3A_816 = arith.constant 0 : index
      %swap3A_817 = tpu.vector_load %arg18[%swap3A_815, %swap3A_816] {strides = array<i32>} : memref<512x64xf32, #tpu.memory_space<vmem>>, vector<1x16xf32>,
      %swap3A_818 = vector.shape_cast %swap3A_817 : vector<1x16xf32> to vector<16xf32>
      %swap3A_819 = vector.shape_cast %add3A_814 : vector<16xf32> to vector<1x16xf32>
      tpu.vector_store %arg18[%swap3A_815, %swap3A_816], %swap3A_819 {strides = array<i32>} : memref<512x64xf32, #tpu.memory_space<vmem>>, vector<1x16xf32>,
      %get3A_820 = arith.index_cast %add3A_801 : i32 to index
      %get3A_821 = arith.constant 16 : index
      %get3A_822 = tpu.vector_load %arg14[%get3A_820, %get3A_821] {strides = array<i32>} : memref<512x32xf32, #tpu.memory_space<vmem>>, vector<1x16xf32>,
      %get3A_823 = vector.shape_cast %get3A_822 : vector<1x16xf32> to vector<16xf32>
      %mul3A_824 = vector.broadcast %squeeze3A_803 : f32 to vector<16xf32>
      %mul3A_825 = arith.mulf %get3A_823, %mul3A_824 : vector<16xf32>
      %get3A_826 = arith.index_cast %add3A_801 : i32 to index
      %get3A_827 = arith.constant 16 : index
      %get3A_828 = tpu.vector_load %arg15[%get3A_826, %get3A_827] {strides = array<i32>} : memref<512x32xf32, #tpu.memory_space<vmem>>, vector<1x16xf32>,
      %get3A_829 = vector.shape_cast %get3A_828 : vector<1x16xf32> to vector<16xf32>
      %add3A_830 = arith.addf %mul3A_825, %get3A_829 : vector<16xf32>
      %swap3A_831 = arith.index_cast %add3A_801 : i32 to index
      %swap3A_832 = arith.constant 16 : index
      %swap3A_833 = tpu.vector_load %arg18[%swap3A_831, %swap3A_832] {strides = array<i32>} : memref<512x64xf32, #tpu.memory_space<vmem>>, vector<1x16xf32>,
      %swap3A_834 = vector.shape_cast %swap3A_833 : vector<1x16xf32> to vector<16xf32>
      %swap3A_835 = vector.shape_cast %add3A_830 : vector<16xf32> to vector<1x16xf32>
      tpu.vector_store %arg18[%swap3A_831, %swap3A_832], %swap3A_835 {strides = array<i32>} : memref<512x64xf32, #tpu.memory_space<vmem>>, vector<1x16xf32>,
      %get3A_836 = arith.index_cast %add3A_801 : i32 to index
      %get3A_837 = arith.constant 0 : index
      %get3A_838 = tpu.vector_load %arg16[%get3A_836, %get3A_837] {strides = array<i32>} : memref<512x32xf32, #tpu.memory_space<vmem>>, vector<1x16xf32>,
      %get3A_839 = vector.shape_cast %get3A_838 : vector<1x16xf32> to vector<16xf32>
      %get3A_840 = arith.index_cast %add3A_801 : i32 to index
      %get3A_841 = arith.constant 0 : index
      %get3A_842 = tpu.vector_load %arg17[%get3A_840, %get3A_841] {strides = array<i32>} : memref<512x32xf32, #tpu.memory_space<vmem>>, vector<1x16xf32>,
      %get3A_843 = vector.shape_cast %get3A_842 : vector<1x16xf32> to vector<16xf32>
      %add3A_844 = arith.addf %get3A_839, %get3A_843 : vector<16xf32>
      %swap3A_845 = arith.index_cast %add3A_801 : i32 to index
      %swap3A_846 = arith.constant 32 : index
      %swap3A_847 = tpu.vector_load %arg18[%swap3A_845, %swap3A_846] {strides = array<i32>} : memref<512x64xf32, #tpu.memory_space<vmem>>, vector<1x16xf32>,
      %swap3A_848 = vector.shape_cast %swap3A_847 : vector<1x16xf32> to vector<16xf32>
      %swap3A_849 = vector.shape_cast %add3A_844 : vector<16xf32> to vector<1x16xf32>
      tpu.vector_store %arg18[%swap3A_845, %swap3A_846], %swap3A_849 {strides = array<i32>} : memref<512x64xf32, #tpu.memory_space<vmem>>, vector<1x16xf32>,
      %get3A_850 = arith.index_cast %add3A_801 : i32 to index
      %get3A_851 = arith.constant 16 : index
      %get3A_852 = tpu.vector_load %arg16[%get3A_850, %get3A_851] {strides = array<i32>} : memref<512x32xf32, #tpu.memory_space<vmem>>, vector<1x16xf32>,
      %get3A_853 = vector.shape_cast %get3A_852 : vector<1x16xf32> to vector<16xf32>
      %get3A_854 = arith.index_cast %add3A_801 : i32 to index
      %get3A_855 = arith.constant 16 : index
      %get3A_856 = tpu.vector_load %arg17[%get3A_854, %get3A_855] {strides = array<i32>} : memref<512x32xf32, #tpu.memory_space<vmem>>, vector<1x16xf32>,
      %get3A_857 = vector.shape_cast %get3A_856 : vector<1x16xf32> to vector<16xf32>
      %add3A_858 = arith.addf %get3A_853, %get3A_857 : vector<16xf32>
      %swap3A_859 = arith.index_cast %add3A_801 : i32 to index
      %swap3A_860 = arith.constant 48 : index
      %swap3A_861 = tpu.vector_load %arg18[%swap3A_859, %swap3A_860] {strides = array<i32>} : memref<512x64xf32, #tpu.memory_space<vmem>>, vector<1x16xf32>,
      %swap3A_862 = vector.shape_cast %swap3A_861 : vector<1x16xf32> to vector<16xf32>
      %swap3A_863 = vector.shape_cast %add3A_858 : vector<16xf32> to vector<1x16xf32>
      tpu.vector_store %arg18[%swap3A_859, %swap3A_860], %swap3A_863 {strides = array<i32>} : memref<512x64xf32, #tpu.memory_space<vmem>>, vector<1x16xf32>,
      %mul3A_864 = arith.constant 16 : i32
      %mul3A_865 = arith.muli %scan3A_268, %mul3A_864 : i32
      %add3A_866 = arith.constant 9 : i32
      %add3A_867 = arith.addi %mul3A_865, %add3A_866 : i32
      %slice3A_868 = vector.extract_strided_slice %get3A_272 {offsets = [9], sizes = [1], strides = [1]} : vector<16xf32> to vector<1xf32>
      %squeeze3A_869 = vector.extract %slice3A_868[0] : f32 from vector<1xf32>
      %get3A_870 = arith.index_cast %add3A_867 : i32 to index
      %get3A_871 = arith.constant 0 : index
      %get3A_872 = tpu.vector_load %arg14[%get3A_870, %get3A_871] {strides = array<i32>} : memref<512x32xf32, #tpu.memory_space<vmem>>, vector<1x16xf32>,
      %get3A_873 = vector.shape_cast %get3A_872 : vector<1x16xf32> to vector<16xf32>
      %mul3A_874 = vector.broadcast %squeeze3A_869 : f32 to vector<16xf32>
      %mul3A_875 = arith.mulf %get3A_873, %mul3A_874 : vector<16xf32>
      %get3A_876 = arith.index_cast %add3A_867 : i32 to index
      %get3A_877 = arith.constant 0 : index
      %get3A_878 = tpu.vector_load %arg15[%get3A_876, %get3A_877] {strides = array<i32>} : memref<512x32xf32, #tpu.memory_space<vmem>>, vector<1x16xf32>,
      %get3A_879 = vector.shape_cast %get3A_878 : vector<1x16xf32> to vector<16xf32>
      %add3A_880 = arith.addf %mul3A_875, %get3A_879 : vector<16xf32>
      %swap3A_881 = arith.index_cast %add3A_867 : i32 to index
      %swap3A_882 = arith.constant 0 : index
      %swap3A_883 = tpu.vector_load %arg18[%swap3A_881, %swap3A_882] {strides = array<i32>} : memref<512x64xf32, #tpu.memory_space<vmem>>, vector<1x16xf32>,
      %swap3A_884 = vector.shape_cast %swap3A_883 : vector<1x16xf32> to vector<16xf32>
      %swap3A_885 = vector.shape_cast %add3A_880 : vector<16xf32> to vector<1x16xf32>
      tpu.vector_store %arg18[%swap3A_881, %swap3A_882], %swap3A_885 {strides = array<i32>} : memref<512x64xf32, #tpu.memory_space<vmem>>, vector<1x16xf32>,
      %get3A_886 = arith.index_cast %add3A_867 : i32 to index
      %get3A_887 = arith.constant 16 : index
      %get3A_888 = tpu.vector_load %arg14[%get3A_886, %get3A_887] {strides = array<i32>} : memref<512x32xf32, #tpu.memory_space<vmem>>, vector<1x16xf32>,
      %get3A_889 = vector.shape_cast %get3A_888 : vector<1x16xf32> to vector<16xf32>
      %mul3A_890 = vector.broadcast %squeeze3A_869 : f32 to vector<16xf32>
      %mul3A_891 = arith.mulf %get3A_889, %mul3A_890 : vector<16xf32>
      %get3A_892 = arith.index_cast %add3A_867 : i32 to index
      %get3A_893 = arith.constant 16 : index
      %get3A_894 = tpu.vector_load %arg15[%get3A_892, %get3A_893] {strides = array<i32>} : memref<512x32xf32, #tpu.memory_space<vmem>>, vector<1x16xf32>,
      %get3A_895 = vector.shape_cast %get3A_894 : vector<1x16xf32> to vector<16xf32>
      %add3A_896 = arith.addf %mul3A_891, %get3A_895 : vector<16xf32>
      %swap3A_897 = arith.index_cast %add3A_867 : i32 to index
      %swap3A_898 = arith.constant 16 : index
      %swap3A_899 = tpu.vector_load %arg18[%swap3A_897, %swap3A_898] {strides = array<i32>} : memref<512x64xf32, #tpu.memory_space<vmem>>, vector<1x16xf32>,
      %swap3A_900 = vector.shape_cast %swap3A_899 : vector<1x16xf32> to vector<16xf32>
      %swap3A_901 = vector.shape_cast %add3A_896 : vector<16xf32> to vector<1x16xf32>
      tpu.vector_store %arg18[%swap3A_897, %swap3A_898], %swap3A_901 {strides = array<i32>} : memref<512x64xf32, #tpu.memory_space<vmem>>, vector<1x16xf32>,
      %get3A_902 = arith.index_cast %add3A_867 : i32 to index
      %get3A_903 = arith.constant 0 : index
      %get3A_904 = tpu.vector_load %arg16[%get3A_902, %get3A_903] {strides = array<i32>} : memref<512x32xf32, #tpu.memory_space<vmem>>, vector<1x16xf32>,
      %get3A_905 = vector.shape_cast %get3A_904 : vector<1x16xf32> to vector<16xf32>
      %get3A_906 = arith.index_cast %add3A_867 : i32 to index
      %get3A_907 = arith.constant 0 : index
      %get3A_908 = tpu.vector_load %arg17[%get3A_906, %get3A_907] {strides = array<i32>} : memref<512x32xf32, #tpu.memory_space<vmem>>, vector<1x16xf32>,
      %get3A_909 = vector.shape_cast %get3A_908 : vector<1x16xf32> to vector<16xf32>
      %add3A_910 = arith.addf %get3A_905, %get3A_909 : vector<16xf32>
      %swap3A_911 = arith.index_cast %add3A_867 : i32 to index
      %swap3A_912 = arith.constant 32 : index
      %swap3A_913 = tpu.vector_load %arg18[%swap3A_911, %swap3A_912] {strides = array<i32>} : memref<512x64xf32, #tpu.memory_space<vmem>>, vector<1x16xf32>,
      %swap3A_914 = vector.shape_cast %swap3A_913 : vector<1x16xf32> to vector<16xf32>
      %swap3A_915 = vector.shape_cast %add3A_910 : vector<16xf32> to vector<1x16xf32>
      tpu.vector_store %arg18[%swap3A_911, %swap3A_912], %swap3A_915 {strides = array<i32>} : memref<512x64xf32, #tpu.memory_space<vmem>>, vector<1x16xf32>,
      %get3A_916 = arith.index_cast %add3A_867 : i32 to index
      %get3A_917 = arith.constant 16 : index
      %get3A_918 = tpu.vector_load %arg16[%get3A_916, %get3A_917] {strides = array<i32>} : memref<512x32xf32, #tpu.memory_space<vmem>>, vector<1x16xf32>,
      %get3A_919 = vector.shape_cast %get3A_918 : vector<1x16xf32> to vector<16xf32>
      %get3A_920 = arith.index_cast %add3A_867 : i32 to index
      %get3A_921 = arith.constant 16 : index
      %get3A_922 = tpu.vector_load %arg17[%get3A_920, %get3A_921] {strides = array<i32>} : memref<512x32xf32, #tpu.memory_space<vmem>>, vector<1x16xf32>,
      %get3A_923 = vector.shape_cast %get3A_922 : vector<1x16xf32> to vector<16xf32>
      %add3A_924 = arith.addf %get3A_919, %get3A_923 : vector<16xf32>
      %swap3A_925 = arith.index_cast %add3A_867 : i32 to index
      %swap3A_926 = arith.constant 48 : index
      %swap3A_927 = tpu.vector_load %arg18[%swap3A_925, %swap3A_926] {strides = array<i32>} : memref<512x64xf32, #tpu.memory_space<vmem>>, vector<1x16xf32>,
      %swap3A_928 = vector.shape_cast %swap3A_927 : vector<1x16xf32> to vector<16xf32>
      %swap3A_929 = vector.shape_cast %add3A_924 : vector<16xf32> to vector<1x16xf32>
      tpu.vector_store %arg18[%swap3A_925, %swap3A_926], %swap3A_929 {strides = array<i32>} : memref<512x64xf32, #tpu.memory_space<vmem>>, vector<1x16xf32>,
      %mul3A_930 = arith.constant 16 : i32
      %mul3A_931 = arith.muli %scan3A_268, %mul3A_930 : i32
      %add3A_932 = arith.constant 10 : i32
      %add3A_933 = arith.addi %mul3A_931, %add3A_932 : i32
      %slice3A_934 = vector.extract_strided_slice %get3A_272 {offsets = [10], sizes = [1], strides = [1]} : vector<16xf32> to vector<1xf32>
      %squeeze3A_935 = vector.extract %slice3A_934[0] : f32 from vector<1xf32>
      %get3A_936 = arith.index_cast %add3A_933 : i32 to index
      %get3A_937 = arith.constant 0 : index
      %get3A_938 = tpu.vector_load %arg14[%get3A_936, %get3A_937] {strides = array<i32>} : memref<512x32xf32, #tpu.memory_space<vmem>>, vector<1x16xf32>,
      %get3A_939 = vector.shape_cast %get3A_938 : vector<1x16xf32> to vector<16xf32>
      %mul3A_940 = vector.broadcast %squeeze3A_935 : f32 to vector<16xf32>
      %mul3A_941 = arith.mulf %get3A_939, %mul3A_940 : vector<16xf32>
      %get3A_942 = arith.index_cast %add3A_933 : i32 to index
      %get3A_943 = arith.constant 0 : index
      %get3A_944 = tpu.vector_load %arg15[%get3A_942, %get3A_943] {strides = array<i32>} : memref<512x32xf32, #tpu.memory_space<vmem>>, vector<1x16xf32>,
      %get3A_945 = vector.shape_cast %get3A_944 : vector<1x16xf32> to vector<16xf32>
      %add3A_946 = arith.addf %mul3A_941, %get3A_945 : vector<16xf32>
      %swap3A_947 = arith.index_cast %add3A_933 : i32 to index
      %swap3A_948 = arith.constant 0 : index
      %swap3A_949 = tpu.vector_load %arg18[%swap3A_947, %swap3A_948] {strides = array<i32>} : memref<512x64xf32, #tpu.memory_space<vmem>>, vector<1x16xf32>,
      %swap3A_950 = vector.shape_cast %swap3A_949 : vector<1x16xf32> to vector<16xf32>
      %swap3A_951 = vector.shape_cast %add3A_946 : vector<16xf32> to vector<1x16xf32>
      tpu.vector_store %arg18[%swap3A_947, %swap3A_948], %swap3A_951 {strides = array<i32>} : memref<512x64xf32, #tpu.memory_space<vmem>>, vector<1x16xf32>,
      %get3A_952 = arith.index_cast %add3A_933 : i32 to index
      %get3A_953 = arith.constant 16 : index
      %get3A_954 = tpu.vector_load %arg14[%get3A_952, %get3A_953] {strides = array<i32>} : memref<512x32xf32, #tpu.memory_space<vmem>>, vector<1x16xf32>,
      %get3A_955 = vector.shape_cast %get3A_954 : vector<1x16xf32> to vector<16xf32>
      %mul3A_956 = vector.broadcast %squeeze3A_935 : f32 to vector<16xf32>
      %mul3A_957 = arith.mulf %get3A_955, %mul3A_956 : vector<16xf32>
      %get3A_958 = arith.index_cast %add3A_933 : i32 to index
      %get3A_959 = arith.constant 16 : index
      %get3A_960 = tpu.vector_load %arg15[%get3A_958, %get3A_959] {strides = array<i32>} : memref<512x32xf32, #tpu.memory_space<vmem>>, vector<1x16xf32>,
      %get3A_961 = vector.shape_cast %get3A_960 : vector<1x16xf32> to vector<16xf32>
      %add3A_962 = arith.addf %mul3A_957, %get3A_961 : vector<16xf32>
      %swap3A_963 = arith.index_cast %add3A_933 : i32 to index
      %swap3A_964 = arith.constant 16 : index
      %swap3A_965 = tpu.vector_load %arg18[%swap3A_963, %swap3A_964] {strides = array<i32>} : memref<512x64xf32, #tpu.memory_space<vmem>>, vector<1x16xf32>,
      %swap3A_966 = vector.shape_cast %swap3A_965 : vector<1x16xf32> to vector<16xf32>
      %swap3A_967 = vector.shape_cast %add3A_962 : vector<16xf32> to vector<1x16xf32>
      tpu.vector_store %arg18[%swap3A_963, %swap3A_964], %swap3A_967 {strides = array<i32>} : memref<512x64xf32, #tpu.memory_space<vmem>>, vector<1x16xf32>,
      %get3A_968 = arith.index_cast %add3A_933 : i32 to index
      %get3A_969 = arith.constant 0 : index
      %get3A_970 = tpu.vector_load %arg16[%get3A_968, %get3A_969] {strides = array<i32>} : memref<512x32xf32, #tpu.memory_space<vmem>>, vector<1x16xf32>,
      %get3A_971 = vector.shape_cast %get3A_970 : vector<1x16xf32> to vector<16xf32>
      %get3A_972 = arith.index_cast %add3A_933 : i32 to index
      %get3A_973 = arith.constant 0 : index
      %get3A_974 = tpu.vector_load %arg17[%get3A_972, %get3A_973] {strides = array<i32>} : memref<512x32xf32, #tpu.memory_space<vmem>>, vector<1x16xf32>,
      %get3A_975 = vector.shape_cast %get3A_974 : vector<1x16xf32> to vector<16xf32>
      %add3A_976 = arith.addf %get3A_971, %get3A_975 : vector<16xf32>
      %swap3A_977 = arith.index_cast %add3A_933 : i32 to index
      %swap3A_978 = arith.constant 32 : index
      %swap3A_979 = tpu.vector_load %arg18[%swap3A_977, %swap3A_978] {strides = array<i32>} : memref<512x64xf32, #tpu.memory_space<vmem>>, vector<1x16xf32>,
      %swap3A_980 = vector.shape_cast %swap3A_979 : vector<1x16xf32> to vector<16xf32>
      %swap3A_981 = vector.shape_cast %add3A_976 : vector<16xf32> to vector<1x16xf32>
      tpu.vector_store %arg18[%swap3A_977, %swap3A_978], %swap3A_981 {strides = array<i32>} : memref<512x64xf32, #tpu.memory_space<vmem>>, vector<1x16xf32>,
      %get3A_982 = arith.index_cast %add3A_933 : i32 to index
      %get3A_983 = arith.constant 16 : index
      %get3A_984 = tpu.vector_load %arg16[%get3A_982, %get3A_983] {strides = array<i32>} : memref<512x32xf32, #tpu.memory_space<vmem>>, vector<1x16xf32>,
      %get3A_985 = vector.shape_cast %get3A_984 : vector<1x16xf32> to vector<16xf32>
      %get3A_986 = arith.index_cast %add3A_933 : i32 to index
      %get3A_987 = arith.constant 16 : index
      %get3A_988 = tpu.vector_load %arg17[%get3A_986, %get3A_987] {strides = array<i32>} : memref<512x32xf32, #tpu.memory_space<vmem>>, vector<1x16xf32>,
      %get3A_989 = vector.shape_cast %get3A_988 : vector<1x16xf32> to vector<16xf32>
      %add3A_990 = arith.addf %get3A_985, %get3A_989 : vector<16xf32>
      %swap3A_991 = arith.index_cast %add3A_933 : i32 to index
      %swap3A_992 = arith.constant 48 : index
      %swap3A_993 = tpu.vector_load %arg18[%swap3A_991, %swap3A_992] {strides = array<i32>} : memref<512x64xf32, #tpu.memory_space<vmem>>, vector<1x16xf32>,
      %swap3A_994 = vector.shape_cast %swap3A_993 : vector<1x16xf32> to vector<16xf32>
      %swap3A_995 = vector.shape_cast %add3A_990 : vector<16xf32> to vector<1x16xf32>
      tpu.vector_store %arg18[%swap3A_991, %swap3A_992], %swap3A_995 {strides = array<i32>} : memref<512x64xf32, #tpu.memory_space<vmem>>, vector<1x16xf32>,
      %mul3A_996 = arith.constant 16 : i32
      %mul3A_997 = arith.muli %scan3A_268, %mul3A_996 : i32
      %add3A_998 = arith.constant 11 : i32
      %add3A_999 = arith.addi %mul3A_997, %add3A_998 : i32
      %slice3A_1000 = vector.extract_strided_slice %get3A_272 {offsets = [11], sizes = [1], strides = [1]} : vector<16xf32> to vector<1xf32>
      %squeeze3A_1001 = vector.extract %slice3A_1000[0] : f32 from vector<1xf32>
      %get3A_1002 = arith.index_cast %add3A_999 : i32 to index
      %get3A_1003 = arith.constant 0 : index
      %get3A_1004 = tpu.vector_load %arg14[%get3A_1002, %get3A_1003] {strides = array<i32>} : memref<512x32xf32, #tpu.memory_space<vmem>>, vector<1x16xf32>,
      %get3A_1005 = vector.shape_cast %get3A_1004 : vector<1x16xf32> to vector<16xf32>
      %mul3A_1006 = vector.broadcast %squeeze3A_1001 : f32 to vector<16xf32>
      %mul3A_1007 = arith.mulf %get3A_1005, %mul3A_1006 : vector<16xf32>
      %get3A_1008 = arith.index_cast %add3A_999 : i32 to index
      %get3A_1009 = arith.constant 0 : index
      %get3A_1010 = tpu.vector_load %arg15[%get3A_1008, %get3A_1009] {strides = array<i32>} : memref<512x32xf32, #tpu.memory_space<vmem>>, vector<1x16xf32>,
      %get3A_1011 = vector.shape_cast %get3A_1010 : vector<1x16xf32> to vector<16xf32>
      %add3A_1012 = arith.addf %mul3A_1007, %get3A_1011 : vector<16xf32>
      %swap3A_1013 = arith.index_cast %add3A_999 : i32 to index
      %swap3A_1014 = arith.constant 0 : index
      %swap3A_1015 = tpu.vector_load %arg18[%swap3A_1013, %swap3A_1014] {strides = array<i32>} : memref<512x64xf32, #tpu.memory_space<vmem>>, vector<1x16xf32>,
      %swap3A_1016 = vector.shape_cast %swap3A_1015 : vector<1x16xf32> to vector<16xf32>
      %swap3A_1017 = vector.shape_cast %add3A_1012 : vector<16xf32> to vector<1x16xf32>
      tpu.vector_store %arg18[%swap3A_1013, %swap3A_1014], %swap3A_1017 {strides = array<i32>} : memref<512x64xf32, #tpu.memory_space<vmem>>, vector<1x16xf32>,
      %get3A_1018 = arith.index_cast %add3A_999 : i32 to index
      %get3A_1019 = arith.constant 16 : index
      %get3A_1020 = tpu.vector_load %arg14[%get3A_1018, %get3A_1019] {strides = array<i32>} : memref<512x32xf32, #tpu.memory_space<vmem>>, vector<1x16xf32>,
      %get3A_1021 = vector.shape_cast %get3A_1020 : vector<1x16xf32> to vector<16xf32>
      %mul3A_1022 = vector.broadcast %squeeze3A_1001 : f32 to vector<16xf32>
      %mul3A_1023 = arith.mulf %get3A_1021, %mul3A_1022 : vector<16xf32>
      %get3A_1024 = arith.index_cast %add3A_999 : i32 to index
      %get3A_1025 = arith.constant 16 : index
      %get3A_1026 = tpu.vector_load %arg15[%get3A_1024, %get3A_1025] {strides = array<i32>} : memref<512x32xf32, #tpu.memory_space<vmem>>, vector<1x16xf32>,
      %get3A_1027 = vector.shape_cast %get3A_1026 : vector<1x16xf32> to vector<16xf32>
      %add3A_1028 = arith.addf %mul3A_1023, %get3A_1027 : vector<16xf32>
      %swap3A_1029 = arith.index_cast %add3A_999 : i32 to index
      %swap3A_1030 = arith.constant 16 : index
      %swap3A_1031 = tpu.vector_load %arg18[%swap3A_1029, %swap3A_1030] {strides = array<i32>} : memref<512x64xf32, #tpu.memory_space<vmem>>, vector<1x16xf32>,
      %swap3A_1032 = vector.shape_cast %swap3A_1031 : vector<1x16xf32> to vector<16xf32>
      %swap3A_1033 = vector.shape_cast %add3A_1028 : vector<16xf32> to vector<1x16xf32>
      tpu.vector_store %arg18[%swap3A_1029, %swap3A_1030], %swap3A_1033 {strides = array<i32>} : memref<512x64xf32, #tpu.memory_space<vmem>>, vector<1x16xf32>,
      %get3A_1034 = arith.index_cast %add3A_999 : i32 to index
      %get3A_1035 = arith.constant 0 : index
      %get3A_1036 = tpu.vector_load %arg16[%get3A_1034, %get3A_1035] {strides = array<i32>} : memref<512x32xf32, #tpu.memory_space<vmem>>, vector<1x16xf32>,
      %get3A_1037 = vector.shape_cast %get3A_1036 : vector<1x16xf32> to vector<16xf32>
      %get3A_1038 = arith.index_cast %add3A_999 : i32 to index
      %get3A_1039 = arith.constant 0 : index
      %get3A_1040 = tpu.vector_load %arg17[%get3A_1038, %get3A_1039] {strides = array<i32>} : memref<512x32xf32, #tpu.memory_space<vmem>>, vector<1x16xf32>,
      %get3A_1041 = vector.shape_cast %get3A_1040 : vector<1x16xf32> to vector<16xf32>
      %add3A_1042 = arith.addf %get3A_1037, %get3A_1041 : vector<16xf32>
      %swap3A_1043 = arith.index_cast %add3A_999 : i32 to index
      %swap3A_1044 = arith.constant 32 : index
      %swap3A_1045 = tpu.vector_load %arg18[%swap3A_1043, %swap3A_1044] {strides = array<i32>} : memref<512x64xf32, #tpu.memory_space<vmem>>, vector<1x16xf32>,
      %swap3A_1046 = vector.shape_cast %swap3A_1045 : vector<1x16xf32> to vector<16xf32>
      %swap3A_1047 = vector.shape_cast %add3A_1042 : vector<16xf32> to vector<1x16xf32>
      tpu.vector_store %arg18[%swap3A_1043, %swap3A_1044], %swap3A_1047 {strides = array<i32>} : memref<512x64xf32, #tpu.memory_space<vmem>>, vector<1x16xf32>,
      %get3A_1048 = arith.index_cast %add3A_999 : i32 to index
      %get3A_1049 = arith.constant 16 : index
      %get3A_1050 = tpu.vector_load %arg16[%get3A_1048, %get3A_1049] {strides = array<i32>} : memref<512x32xf32, #tpu.memory_space<vmem>>, vector<1x16xf32>,
      %get3A_1051 = vector.shape_cast %get3A_1050 : vector<1x16xf32> to vector<16xf32>
      %get3A_1052 = arith.index_cast %add3A_999 : i32 to index
      %get3A_1053 = arith.constant 16 : index
      %get3A_1054 = tpu.vector_load %arg17[%get3A_1052, %get3A_1053] {strides = array<i32>} : memref<512x32xf32, #tpu.memory_space<vmem>>, vector<1x16xf32>,
      %get3A_1055 = vector.shape_cast %get3A_1054 : vector<1x16xf32> to vector<16xf32>
      %add3A_1056 = arith.addf %get3A_1051, %get3A_1055 : vector<16xf32>
      %swap3A_1057 = arith.index_cast %add3A_999 : i32 to index
      %swap3A_1058 = arith.constant 48 : index
      %swap3A_1059 = tpu.vector_load %arg18[%swap3A_1057, %swap3A_1058] {strides = array<i32>} : memref<512x64xf32, #tpu.memory_space<vmem>>, vector<1x16xf32>,
      %swap3A_1060 = vector.shape_cast %swap3A_1059 : vector<1x16xf32> to vector<16xf32>
      %swap3A_1061 = vector.shape_cast %add3A_1056 : vector<16xf32> to vector<1x16xf32>
      tpu.vector_store %arg18[%swap3A_1057, %swap3A_1058], %swap3A_1061 {strides = array<i32>} : memref<512x64xf32, #tpu.memory_space<vmem>>, vector<1x16xf32>,
      %mul3A_1062 = arith.constant 16 : i32
      %mul3A_1063 = arith.muli %scan3A_268, %mul3A_1062 : i32
      %add3A_1064 = arith.constant 12 : i32
      %add3A_1065 = arith.addi %mul3A_1063, %add3A_1064 : i32
      %slice3A_1066 = vector.extract_strided_slice %get3A_272 {offsets = [12], sizes = [1], strides = [1]} : vector<16xf32> to vector<1xf32>
      %squeeze3A_1067 = vector.extract %slice3A_1066[0] : f32 from vector<1xf32>
      %get3A_1068 = arith.index_cast %add3A_1065 : i32 to index
      %get3A_1069 = arith.constant 0 : index
      %get3A_1070 = tpu.vector_load %arg14[%get3A_1068, %get3A_1069] {strides = array<i32>} : memref<512x32xf32, #tpu.memory_space<vmem>>, vector<1x16xf32>,
      %get3A_1071 = vector.shape_cast %get3A_1070 : vector<1x16xf32> to vector<16xf32>
      %mul3A_1072 = vector.broadcast %squeeze3A_1067 : f32 to vector<16xf32>
      %mul3A_1073 = arith.mulf %get3A_1071, %mul3A_1072 : vector<16xf32>
      %get3A_1074 = arith.index_cast %add3A_1065 : i32 to index
      %get3A_1075 = arith.constant 0 : index
      %get3A_1076 = tpu.vector_load %arg15[%get3A_1074, %get3A_1075] {strides = array<i32>} : memref<512x32xf32, #tpu.memory_space<vmem>>, vector<1x16xf32>,
      %get3A_1077 = vector.shape_cast %get3A_1076 : vector<1x16xf32> to vector<16xf32>
      %add3A_1078 = arith.addf %mul3A_1073, %get3A_1077 : vector<16xf32>
      %swap3A_1079 = arith.index_cast %add3A_1065 : i32 to index
      %swap3A_1080 = arith.constant 0 : index
      %swap3A_1081 = tpu.vector_load %arg18[%swap3A_1079, %swap3A_1080] {strides = array<i32>} : memref<512x64xf32, #tpu.memory_space<vmem>>, vector<1x16xf32>,
      %swap3A_1082 = vector.shape_cast %swap3A_1081 : vector<1x16xf32> to vector<16xf32>
      %swap3A_1083 = vector.shape_cast %add3A_1078 : vector<16xf32> to vector<1x16xf32>
      tpu.vector_store %arg18[%swap3A_1079, %swap3A_1080], %swap3A_1083 {strides = array<i32>} : memref<512x64xf32, #tpu.memory_space<vmem>>, vector<1x16xf32>,
      %get3A_1084 = arith.index_cast %add3A_1065 : i32 to index
      %get3A_1085 = arith.constant 16 : index
      %get3A_1086 = tpu.vector_load %arg14[%get3A_1084, %get3A_1085] {strides = array<i32>} : memref<512x32xf32, #tpu.memory_space<vmem>>, vector<1x16xf32>,
      %get3A_1087 = vector.shape_cast %get3A_1086 : vector<1x16xf32> to vector<16xf32>
      %mul3A_1088 = vector.broadcast %squeeze3A_1067 : f32 to vector<16xf32>
      %mul3A_1089 = arith.mulf %get3A_1087, %mul3A_1088 : vector<16xf32>
      %get3A_1090 = arith.index_cast %add3A_1065 : i32 to index
      %get3A_1091 = arith.constant 16 : index
      %get3A_1092 = tpu.vector_load %arg15[%get3A_1090, %get3A_1091] {strides = array<i32>} : memref<512x32xf32, #tpu.memory_space<vmem>>, vector<1x16xf32>,
      %get3A_1093 = vector.shape_cast %get3A_1092 : vector<1x16xf32> to vector<16xf32>
      %add3A_1094 = arith.addf %mul3A_1089, %get3A_1093 : vector<16xf32>
      %swap3A_1095 = arith.index_cast %add3A_1065 : i32 to index
      %swap3A_1096 = arith.constant 16 : index
      %swap3A_1097 = tpu.vector_load %arg18[%swap3A_1095, %swap3A_1096] {strides = array<i32>} : memref<512x64xf32, #tpu.memory_space<vmem>>, vector<1x16xf32>,
      %swap3A_1098 = vector.shape_cast %swap3A_1097 : vector<1x16xf32> to vector<16xf32>
      %swap3A_1099 = vector.shape_cast %add3A_1094 : vector<16xf32> to vector<1x16xf32>
      tpu.vector_store %arg18[%swap3A_1095, %swap3A_1096], %swap3A_1099 {strides = array<i32>} : memref<512x64xf32, #tpu.memory_space<vmem>>, vector<1x16xf32>,
      %get3A_1100 = arith.index_cast %add3A_1065 : i32 to index
      %get3A_1101 = arith.constant 0 : index
      %get3A_1102 = tpu.vector_load %arg16[%get3A_1100, %get3A_1101] {strides = array<i32>} : memref<512x32xf32, #tpu.memory_space<vmem>>, vector<1x16xf32>,
      %get3A_1103 = vector.shape_cast %get3A_1102 : vector<1x16xf32> to vector<16xf32>
      %get3A_1104 = arith.index_cast %add3A_1065 : i32 to index
      %get3A_1105 = arith.constant 0 : index
      %get3A_1106 = tpu.vector_load %arg17[%get3A_1104, %get3A_1105] {strides = array<i32>} : memref<512x32xf32, #tpu.memory_space<vmem>>, vector<1x16xf32>,
      %get3A_1107 = vector.shape_cast %get3A_1106 : vector<1x16xf32> to vector<16xf32>
      %add3A_1108 = arith.addf %get3A_1103, %get3A_1107 : vector<16xf32>
      %swap3A_1109 = arith.index_cast %add3A_1065 : i32 to index
      %swap3A_1110 = arith.constant 32 : index
      %swap3A_1111 = tpu.vector_load %arg18[%swap3A_1109, %swap3A_1110] {strides = array<i32>} : memref<512x64xf32, #tpu.memory_space<vmem>>, vector<1x16xf32>,
      %swap3A_1112 = vector.shape_cast %swap3A_1111 : vector<1x16xf32> to vector<16xf32>
      %swap3A_1113 = vector.shape_cast %add3A_1108 : vector<16xf32> to vector<1x16xf32>
      tpu.vector_store %arg18[%swap3A_1109, %swap3A_1110], %swap3A_1113 {strides = array<i32>} : memref<512x64xf32, #tpu.memory_space<vmem>>, vector<1x16xf32>,
      %get3A_1114 = arith.index_cast %add3A_1065 : i32 to index
      %get3A_1115 = arith.constant 16 : index
      %get3A_1116 = tpu.vector_load %arg16[%get3A_1114, %get3A_1115] {strides = array<i32>} : memref<512x32xf32, #tpu.memory_space<vmem>>, vector<1x16xf32>,
      %get3A_1117 = vector.shape_cast %get3A_1116 : vector<1x16xf32> to vector<16xf32>
      %get3A_1118 = arith.index_cast %add3A_1065 : i32 to index
      %get3A_1119 = arith.constant 16 : index
      %get3A_1120 = tpu.vector_load %arg17[%get3A_1118, %get3A_1119] {strides = array<i32>} : memref<512x32xf32, #tpu.memory_space<vmem>>, vector<1x16xf32>,
      %get3A_1121 = vector.shape_cast %get3A_1120 : vector<1x16xf32> to vector<16xf32>
      %add3A_1122 = arith.addf %get3A_1117, %get3A_1121 : vector<16xf32>
      %swap3A_1123 = arith.index_cast %add3A_1065 : i32 to index
      %swap3A_1124 = arith.constant 48 : index
      %swap3A_1125 = tpu.vector_load %arg18[%swap3A_1123, %swap3A_1124] {strides = array<i32>} : memref<512x64xf32, #tpu.memory_space<vmem>>, vector<1x16xf32>,
      %swap3A_1126 = vector.shape_cast %swap3A_1125 : vector<1x16xf32> to vector<16xf32>
      %swap3A_1127 = vector.shape_cast %add3A_1122 : vector<16xf32> to vector<1x16xf32>
      tpu.vector_store %arg18[%swap3A_1123, %swap3A_1124], %swap3A_1127 {strides = array<i32>} : memref<512x64xf32, #tpu.memory_space<vmem>>, vector<1x16xf32>,
      %mul3A_1128 = arith.constant 16 : i32
      %mul3A_1129 = arith.muli %scan3A_268, %mul3A_1128 : i32
      %add3A_1130 = arith.constant 13 : i32
      %add3A_1131 = arith.addi %mul3A_1129, %add3A_1130 : i32
      %slice3A_1132 = vector.extract_strided_slice %get3A_272 {offsets = [13], sizes = [1], strides = [1]} : vector<16xf32> to vector<1xf32>
      %squeeze3A_1133 = vector.extract %slice3A_1132[0] : f32 from vector<1xf32>
      %get3A_1134 = arith.index_cast %add3A_1131 : i32 to index
      %get3A_1135 = arith.constant 0 : index
      %get3A_1136 = tpu.vector_load %arg14[%get3A_1134, %get3A_1135] {strides = array<i32>} : memref<512x32xf32, #tpu.memory_space<vmem>>, vector<1x16xf32>,
      %get3A_1137 = vector.shape_cast %get3A_1136 : vector<1x16xf32> to vector<16xf32>
      %mul3A_1138 = vector.broadcast %squeeze3A_1133 : f32 to vector<16xf32>
      %mul3A_1139 = arith.mulf %get3A_1137, %mul3A_1138 : vector<16xf32>
      %get3A_1140 = arith.index_cast %add3A_1131 : i32 to index
      %get3A_1141 = arith.constant 0 : index
      %get3A_1142 = tpu.vector_load %arg15[%get3A_1140, %get3A_1141] {strides = array<i32>} : memref<512x32xf32, #tpu.memory_space<vmem>>, vector<1x16xf32>,
      %get3A_1143 = vector.shape_cast %get3A_1142 : vector<1x16xf32> to vector<16xf32>
      %add3A_1144 = arith.addf %mul3A_1139, %get3A_1143 : vector<16xf32>
      %swap3A_1145 = arith.index_cast %add3A_1131 : i32 to index
      %swap3A_1146 = arith.constant 0 : index
      %swap3A_1147 = tpu.vector_load %arg18[%swap3A_1145, %swap3A_1146] {strides = array<i32>} : memref<512x64xf32, #tpu.memory_space<vmem>>, vector<1x16xf32>,
      %swap3A_1148 = vector.shape_cast %swap3A_1147 : vector<1x16xf32> to vector<16xf32>
      %swap3A_1149 = vector.shape_cast %add3A_1144 : vector<16xf32> to vector<1x16xf32>
      tpu.vector_store %arg18[%swap3A_1145, %swap3A_1146], %swap3A_1149 {strides = array<i32>} : memref<512x64xf32, #tpu.memory_space<vmem>>, vector<1x16xf32>,
      %get3A_1150 = arith.index_cast %add3A_1131 : i32 to index
      %get3A_1151 = arith.constant 16 : index
      %get3A_1152 = tpu.vector_load %arg14[%get3A_1150, %get3A_1151] {strides = array<i32>} : memref<512x32xf32, #tpu.memory_space<vmem>>, vector<1x16xf32>,
      %get3A_1153 = vector.shape_cast %get3A_1152 : vector<1x16xf32> to vector<16xf32>
      %mul3A_1154 = vector.broadcast %squeeze3A_1133 : f32 to vector<16xf32>
      %mul3A_1155 = arith.mulf %get3A_1153, %mul3A_1154 : vector<16xf32>
      %get3A_1156 = arith.index_cast %add3A_1131 : i32 to index
      %get3A_1157 = arith.constant 16 : index
      %get3A_1158 = tpu.vector_load %arg15[%get3A_1156, %get3A_1157] {strides = array<i32>} : memref<512x32xf32, #tpu.memory_space<vmem>>, vector<1x16xf32>,
      %get3A_1159 = vector.shape_cast %get3A_1158 : vector<1x16xf32> to vector<16xf32>
      %add3A_1160 = arith.addf %mul3A_1155, %get3A_1159 : vector<16xf32>
      %swap3A_1161 = arith.index_cast %add3A_1131 : i32 to index
      %swap3A_1162 = arith.constant 16 : index
      %swap3A_1163 = tpu.vector_load %arg18[%swap3A_1161, %swap3A_1162] {strides = array<i32>} : memref<512x64xf32, #tpu.memory_space<vmem>>, vector<1x16xf32>,
      %swap3A_1164 = vector.shape_cast %swap3A_1163 : vector<1x16xf32> to vector<16xf32>
      %swap3A_1165 = vector.shape_cast %add3A_1160 : vector<16xf32> to vector<1x16xf32>
      tpu.vector_store %arg18[%swap3A_1161, %swap3A_1162], %swap3A_1165 {strides = array<i32>} : memref<512x64xf32, #tpu.memory_space<vmem>>, vector<1x16xf32>,
      %get3A_1166 = arith.index_cast %add3A_1131 : i32 to index
      %get3A_1167 = arith.constant 0 : index
      %get3A_1168 = tpu.vector_load %arg16[%get3A_1166, %get3A_1167] {strides = array<i32>} : memref<512x32xf32, #tpu.memory_space<vmem>>, vector<1x16xf32>,
      %get3A_1169 = vector.shape_cast %get3A_1168 : vector<1x16xf32> to vector<16xf32>
      %get3A_1170 = arith.index_cast %add3A_1131 : i32 to index
      %get3A_1171 = arith.constant 0 : index
      %get3A_1172 = tpu.vector_load %arg17[%get3A_1170, %get3A_1171] {strides = array<i32>} : memref<512x32xf32, #tpu.memory_space<vmem>>, vector<1x16xf32>,
      %get3A_1173 = vector.shape_cast %get3A_1172 : vector<1x16xf32> to vector<16xf32>
      %add3A_1174 = arith.addf %get3A_1169, %get3A_1173 : vector<16xf32>
      %swap3A_1175 = arith.index_cast %add3A_1131 : i32 to index
      %swap3A_1176 = arith.constant 32 : index
      %swap3A_1177 = tpu.vector_load %arg18[%swap3A_1175, %swap3A_1176] {strides = array<i32>} : memref<512x64xf32, #tpu.memory_space<vmem>>, vector<1x16xf32>,
      %swap3A_1178 = vector.shape_cast %swap3A_1177 : vector<1x16xf32> to vector<16xf32>
      %swap3A_1179 = vector.shape_cast %add3A_1174 : vector<16xf32> to vector<1x16xf32>
      tpu.vector_store %arg18[%swap3A_1175, %swap3A_1176], %swap3A_1179 {strides = array<i32>} : memref<512x64xf32, #tpu.memory_space<vmem>>, vector<1x16xf32>,
      %get3A_1180 = arith.index_cast %add3A_1131 : i32 to index
      %get3A_1181 = arith.constant 16 : index
      %get3A_1182 = tpu.vector_load %arg16[%get3A_1180, %get3A_1181] {strides = array<i32>} : memref<512x32xf32, #tpu.memory_space<vmem>>, vector<1x16xf32>,
      %get3A_1183 = vector.shape_cast %get3A_1182 : vector<1x16xf32> to vector<16xf32>
      %get3A_1184 = arith.index_cast %add3A_1131 : i32 to index
      %get3A_1185 = arith.constant 16 : index
      %get3A_1186 = tpu.vector_load %arg17[%get3A_1184, %get3A_1185] {strides = array<i32>} : memref<512x32xf32, #tpu.memory_space<vmem>>, vector<1x16xf32>,
      %get3A_1187 = vector.shape_cast %get3A_1186 : vector<1x16xf32> to vector<16xf32>
      %add3A_1188 = arith.addf %get3A_1183, %get3A_1187 : vector<16xf32>
      %swap3A_1189 = arith.index_cast %add3A_1131 : i32 to index
      %swap3A_1190 = arith.constant 48 : index
      %swap3A_1191 = tpu.vector_load %arg18[%swap3A_1189, %swap3A_1190] {strides = array<i32>} : memref<512x64xf32, #tpu.memory_space<vmem>>, vector<1x16xf32>,
      %swap3A_1192 = vector.shape_cast %swap3A_1191 : vector<1x16xf32> to vector<16xf32>
      %swap3A_1193 = vector.shape_cast %add3A_1188 : vector<16xf32> to vector<1x16xf32>
      tpu.vector_store %arg18[%swap3A_1189, %swap3A_1190], %swap3A_1193 {strides = array<i32>} : memref<512x64xf32, #tpu.memory_space<vmem>>, vector<1x16xf32>,
      %mul3A_1194 = arith.constant 16 : i32
      %mul3A_1195 = arith.muli %scan3A_268, %mul3A_1194 : i32
      %add3A_1196 = arith.constant 14 : i32
      %add3A_1197 = arith.addi %mul3A_1195, %add3A_1196 : i32
      %slice3A_1198 = vector.extract_strided_slice %get3A_272 {offsets = [14], sizes = [1], strides = [1]} : vector<16xf32> to vector<1xf32>
      %squeeze3A_1199 = vector.extract %slice3A_1198[0] : f32 from vector<1xf32>
      %get3A_1200 = arith.index_cast %add3A_1197 : i32 to index
      %get3A_1201 = arith.constant 0 : index
      %get3A_1202 = tpu.vector_load %arg14[%get3A_1200, %get3A_1201] {strides = array<i32>} : memref<512x32xf32, #tpu.memory_space<vmem>>, vector<1x16xf32>,
      %get3A_1203 = vector.shape_cast %get3A_1202 : vector<1x16xf32> to vector<16xf32>
      %mul3A_1204 = vector.broadcast %squeeze3A_1199 : f32 to vector<16xf32>
      %mul3A_1205 = arith.mulf %get3A_1203, %mul3A_1204 : vector<16xf32>
      %get3A_1206 = arith.index_cast %add3A_1197 : i32 to index
      %get3A_1207 = arith.constant 0 : index
      %get3A_1208 = tpu.vector_load %arg15[%get3A_1206, %get3A_1207] {strides = array<i32>} : memref<512x32xf32, #tpu.memory_space<vmem>>, vector<1x16xf32>,
      %get3A_1209 = vector.shape_cast %get3A_1208 : vector<1x16xf32> to vector<16xf32>
      %add3A_1210 = arith.addf %mul3A_1205, %get3A_1209 : vector<16xf32>
      %swap3A_1211 = arith.index_cast %add3A_1197 : i32 to index
      %swap3A_1212 = arith.constant 0 : index
      %swap3A_1213 = tpu.vector_load %arg18[%swap3A_1211, %swap3A_1212] {strides = array<i32>} : memref<512x64xf32, #tpu.memory_space<vmem>>, vector<1x16xf32>,
      %swap3A_1214 = vector.shape_cast %swap3A_1213 : vector<1x16xf32> to vector<16xf32>
      %swap3A_1215 = vector.shape_cast %add3A_1210 : vector<16xf32> to vector<1x16xf32>
      tpu.vector_store %arg18[%swap3A_1211, %swap3A_1212], %swap3A_1215 {strides = array<i32>} : memref<512x64xf32, #tpu.memory_space<vmem>>, vector<1x16xf32>,
      %get3A_1216 = arith.index_cast %add3A_1197 : i32 to index
      %get3A_1217 = arith.constant 16 : index
      %get3A_1218 = tpu.vector_load %arg14[%get3A_1216, %get3A_1217] {strides = array<i32>} : memref<512x32xf32, #tpu.memory_space<vmem>>, vector<1x16xf32>,
      %get3A_1219 = vector.shape_cast %get3A_1218 : vector<1x16xf32> to vector<16xf32>
      %mul3A_1220 = vector.broadcast %squeeze3A_1199 : f32 to vector<16xf32>
      %mul3A_1221 = arith.mulf %get3A_1219, %mul3A_1220 : vector<16xf32>
      %get3A_1222 = arith.index_cast %add3A_1197 : i32 to index
      %get3A_1223 = arith.constant 16 : index
      %get3A_1224 = tpu.vector_load %arg15[%get3A_1222, %get3A_1223] {strides = array<i32>} : memref<512x32xf32, #tpu.memory_space<vmem>>, vector<1x16xf32>,
      %get3A_1225 = vector.shape_cast %get3A_1224 : vector<1x16xf32> to vector<16xf32>
      %add3A_1226 = arith.addf %mul3A_1221, %get3A_1225 : vector<16xf32>
      %swap3A_1227 = arith.index_cast %add3A_1197 : i32 to index
      %swap3A_1228 = arith.constant 16 : index
      %swap3A_1229 = tpu.vector_load %arg18[%swap3A_1227, %swap3A_1228] {strides = array<i32>} : memref<512x64xf32, #tpu.memory_space<vmem>>, vector<1x16xf32>,
      %swap3A_1230 = vector.shape_cast %swap3A_1229 : vector<1x16xf32> to vector<16xf32>
      %swap3A_1231 = vector.shape_cast %add3A_1226 : vector<16xf32> to vector<1x16xf32>
      tpu.vector_store %arg18[%swap3A_1227, %swap3A_1228], %swap3A_1231 {strides = array<i32>} : memref<512x64xf32, #tpu.memory_space<vmem>>, vector<1x16xf32>,
      %get3A_1232 = arith.index_cast %add3A_1197 : i32 to index
      %get3A_1233 = arith.constant 0 : index
      %get3A_1234 = tpu.vector_load %arg16[%get3A_1232, %get3A_1233] {strides = array<i32>} : memref<512x32xf32, #tpu.memory_space<vmem>>, vector<1x16xf32>,
      %get3A_1235 = vector.shape_cast %get3A_1234 : vector<1x16xf32> to vector<16xf32>
      %get3A_1236 = arith.index_cast %add3A_1197 : i32 to index
      %get3A_1237 = arith.constant 0 : index
      %get3A_1238 = tpu.vector_load %arg17[%get3A_1236, %get3A_1237] {strides = array<i32>} : memref<512x32xf32, #tpu.memory_space<vmem>>, vector<1x16xf32>,
      %get3A_1239 = vector.shape_cast %get3A_1238 : vector<1x16xf32> to vector<16xf32>
      %add3A_1240 = arith.addf %get3A_1235, %get3A_1239 : vector<16xf32>
      %swap3A_1241 = arith.index_cast %add3A_1197 : i32 to index
      %swap3A_1242 = arith.constant 32 : index
      %swap3A_1243 = tpu.vector_load %arg18[%swap3A_1241, %swap3A_1242] {strides = array<i32>} : memref<512x64xf32, #tpu.memory_space<vmem>>, vector<1x16xf32>,
      %swap3A_1244 = vector.shape_cast %swap3A_1243 : vector<1x16xf32> to vector<16xf32>
      %swap3A_1245 = vector.shape_cast %add3A_1240 : vector<16xf32> to vector<1x16xf32>
      tpu.vector_store %arg18[%swap3A_1241, %swap3A_1242], %swap3A_1245 {strides = array<i32>} : memref<512x64xf32, #tpu.memory_space<vmem>>, vector<1x16xf32>,
      %get3A_1246 = arith.index_cast %add3A_1197 : i32 to index
      %get3A_1247 = arith.constant 16 : index
      %get3A_1248 = tpu.vector_load %arg16[%get3A_1246, %get3A_1247] {strides = array<i32>} : memref<512x32xf32, #tpu.memory_space<vmem>>, vector<1x16xf32>,
      %get3A_1249 = vector.shape_cast %get3A_1248 : vector<1x16xf32> to vector<16xf32>
      %get3A_1250 = arith.index_cast %add3A_1197 : i32 to index
      %get3A_1251 = arith.constant 16 : index
      %get3A_1252 = tpu.vector_load %arg17[%get3A_1250, %get3A_1251] {strides = array<i32>} : memref<512x32xf32, #tpu.memory_space<vmem>>, vector<1x16xf32>,
      %get3A_1253 = vector.shape_cast %get3A_1252 : vector<1x16xf32> to vector<16xf32>
      %add3A_1254 = arith.addf %get3A_1249, %get3A_1253 : vector<16xf32>
      %swap3A_1255 = arith.index_cast %add3A_1197 : i32 to index
      %swap3A_1256 = arith.constant 48 : index
      %swap3A_1257 = tpu.vector_load %arg18[%swap3A_1255, %swap3A_1256] {strides = array<i32>} : memref<512x64xf32, #tpu.memory_space<vmem>>, vector<1x16xf32>,
      %swap3A_1258 = vector.shape_cast %swap3A_1257 : vector<1x16xf32> to vector<16xf32>
      %swap3A_1259 = vector.shape_cast %add3A_1254 : vector<16xf32> to vector<1x16xf32>
      tpu.vector_store %arg18[%swap3A_1255, %swap3A_1256], %swap3A_1259 {strides = array<i32>} : memref<512x64xf32, #tpu.memory_space<vmem>>, vector<1x16xf32>,
      %mul3A_1260 = arith.constant 16 : i32
      %mul3A_1261 = arith.muli %scan3A_268, %mul3A_1260 : i32
      %add3A_1262 = arith.constant 15 : i32
      %add3A_1263 = arith.addi %mul3A_1261, %add3A_1262 : i32
      %slice3A_1264 = vector.extract_strided_slice %get3A_272 {offsets = [15], sizes = [1], strides = [1]} : vector<16xf32> to vector<1xf32>
      %squeeze3A_1265 = vector.extract %slice3A_1264[0] : f32 from vector<1xf32>
      %get3A_1266 = arith.index_cast %add3A_1263 : i32 to index
      %get3A_1267 = arith.constant 0 : index
      %get3A_1268 = tpu.vector_load %arg14[%get3A_1266, %get3A_1267] {strides = array<i32>} : memref<512x32xf32, #tpu.memory_space<vmem>>, vector<1x16xf32>,
      %get3A_1269 = vector.shape_cast %get3A_1268 : vector<1x16xf32> to vector<16xf32>
      %mul3A_1270 = vector.broadcast %squeeze3A_1265 : f32 to vector<16xf32>
      %mul3A_1271 = arith.mulf %get3A_1269, %mul3A_1270 : vector<16xf32>
      %get3A_1272 = arith.index_cast %add3A_1263 : i32 to index
      %get3A_1273 = arith.constant 0 : index
      %get3A_1274 = tpu.vector_load %arg15[%get3A_1272, %get3A_1273] {strides = array<i32>} : memref<512x32xf32, #tpu.memory_space<vmem>>, vector<1x16xf32>,
      %get3A_1275 = vector.shape_cast %get3A_1274 : vector<1x16xf32> to vector<16xf32>
      %add3A_1276 = arith.addf %mul3A_1271, %get3A_1275 : vector<16xf32>
      %swap3A_1277 = arith.index_cast %add3A_1263 : i32 to index
      %swap3A_1278 = arith.constant 0 : index
      %swap3A_1279 = tpu.vector_load %arg18[%swap3A_1277, %swap3A_1278] {strides = array<i32>} : memref<512x64xf32, #tpu.memory_space<vmem>>, vector<1x16xf32>,
      %swap3A_1280 = vector.shape_cast %swap3A_1279 : vector<1x16xf32> to vector<16xf32>
      %swap3A_1281 = vector.shape_cast %add3A_1276 : vector<16xf32> to vector<1x16xf32>
      tpu.vector_store %arg18[%swap3A_1277, %swap3A_1278], %swap3A_1281 {strides = array<i32>} : memref<512x64xf32, #tpu.memory_space<vmem>>, vector<1x16xf32>,
      %get3A_1282 = arith.index_cast %add3A_1263 : i32 to index
      %get3A_1283 = arith.constant 16 : index
      %get3A_1284 = tpu.vector_load %arg14[%get3A_1282, %get3A_1283] {strides = array<i32>} : memref<512x32xf32, #tpu.memory_space<vmem>>, vector<1x16xf32>,
      %get3A_1285 = vector.shape_cast %get3A_1284 : vector<1x16xf32> to vector<16xf32>
      %mul3A_1286 = vector.broadcast %squeeze3A_1265 : f32 to vector<16xf32>
      %mul3A_1287 = arith.mulf %get3A_1285, %mul3A_1286 : vector<16xf32>
      %get3A_1288 = arith.index_cast %add3A_1263 : i32 to index
      %get3A_1289 = arith.constant 16 : index
      %get3A_1290 = tpu.vector_load %arg15[%get3A_1288, %get3A_1289] {strides = array<i32>} : memref<512x32xf32, #tpu.memory_space<vmem>>, vector<1x16xf32>,
      %get3A_1291 = vector.shape_cast %get3A_1290 : vector<1x16xf32> to vector<16xf32>
      %add3A_1292 = arith.addf %mul3A_1287, %get3A_1291 : vector<16xf32>
      %swap3A_1293 = arith.index_cast %add3A_1263 : i32 to index
      %swap3A_1294 = arith.constant 16 : index
      %swap3A_1295 = tpu.vector_load %arg18[%swap3A_1293, %swap3A_1294] {strides = array<i32>} : memref<512x64xf32, #tpu.memory_space<vmem>>, vector<1x16xf32>,
      %swap3A_1296 = vector.shape_cast %swap3A_1295 : vector<1x16xf32> to vector<16xf32>
      %swap3A_1297 = vector.shape_cast %add3A_1292 : vector<16xf32> to vector<1x16xf32>
      tpu.vector_store %arg18[%swap3A_1293, %swap3A_1294], %swap3A_1297 {strides = array<i32>} : memref<512x64xf32, #tpu.memory_space<vmem>>, vector<1x16xf32>,
      %get3A_1298 = arith.index_cast %add3A_1263 : i32 to index
      %get3A_1299 = arith.constant 0 : index
      %get3A_1300 = tpu.vector_load %arg16[%get3A_1298, %get3A_1299] {strides = array<i32>} : memref<512x32xf32, #tpu.memory_space<vmem>>, vector<1x16xf32>,
      %get3A_1301 = vector.shape_cast %get3A_1300 : vector<1x16xf32> to vector<16xf32>
      %get3A_1302 = arith.index_cast %add3A_1263 : i32 to index
      %get3A_1303 = arith.constant 0 : index
      %get3A_1304 = tpu.vector_load %arg17[%get3A_1302, %get3A_1303] {strides = array<i32>} : memref<512x32xf32, #tpu.memory_space<vmem>>, vector<1x16xf32>,
      %get3A_1305 = vector.shape_cast %get3A_1304 : vector<1x16xf32> to vector<16xf32>
      %add3A_1306 = arith.addf %get3A_1301, %get3A_1305 : vector<16xf32>
      %swap3A_1307 = arith.index_cast %add3A_1263 : i32 to index
      %swap3A_1308 = arith.constant 32 : index
      %swap3A_1309 = tpu.vector_load %arg18[%swap3A_1307, %swap3A_1308] {strides = array<i32>} : memref<512x64xf32, #tpu.memory_space<vmem>>, vector<1x16xf32>,
      %swap3A_1310 = vector.shape_cast %swap3A_1309 : vector<1x16xf32> to vector<16xf32>
      %swap3A_1311 = vector.shape_cast %add3A_1306 : vector<16xf32> to vector<1x16xf32>
      tpu.vector_store %arg18[%swap3A_1307, %swap3A_1308], %swap3A_1311 {strides = array<i32>} : memref<512x64xf32, #tpu.memory_space<vmem>>, vector<1x16xf32>,
      %get3A_1312 = arith.index_cast %add3A_1263 : i32 to index
      %get3A_1313 = arith.constant 16 : index
      %get3A_1314 = tpu.vector_load %arg16[%get3A_1312, %get3A_1313] {strides = array<i32>} : memref<512x32xf32, #tpu.memory_space<vmem>>, vector<1x16xf32>,
      %get3A_1315 = vector.shape_cast %get3A_1314 : vector<1x16xf32> to vector<16xf32>
      %get3A_1316 = arith.index_cast %add3A_1263 : i32 to index
      %get3A_1317 = arith.constant 16 : index
      %get3A_1318 = tpu.vector_load %arg17[%get3A_1316, %get3A_1317] {strides = array<i32>} : memref<512x32xf32, #tpu.memory_space<vmem>>, vector<1x16xf32>,
      %get3A_1319 = vector.shape_cast %get3A_1318 : vector<1x16xf32> to vector<16xf32>
      %add3A_1320 = arith.addf %get3A_1315, %get3A_1319 : vector<16xf32>
      %swap3A_1321 = arith.index_cast %add3A_1263 : i32 to index
      %swap3A_1322 = arith.constant 48 : index
      %swap3A_1323 = tpu.vector_load %arg18[%swap3A_1321, %swap3A_1322] {strides = array<i32>} : memref<512x64xf32, #tpu.memory_space<vmem>>, vector<1x16xf32>,
      %swap3A_1324 = vector.shape_cast %swap3A_1323 : vector<1x16xf32> to vector<16xf32>
      %swap3A_1325 = vector.shape_cast %add3A_1320 : vector<16xf32> to vector<1x16xf32>
      tpu.vector_store %arg18[%swap3A_1321, %swap3A_1322], %swap3A_1325 {strides = array<i32>} : memref<512x64xf32, #tpu.memory_space<vmem>>, vector<1x16xf32>,
    }
    %scan3A_267 = arith.constant 32 : i32
    "tpu.region"() ({
      %run_scoped3A = tpu.sem_alloc : memref<!tpu.dma_semaphore, #tpu.memory_space<semaphore_mem>>
      %dma_start3A_268 = arith.constant 0 : i32
      %dma_start3A_269 = tpu.memref_slice %arg9[%mul3A_2, %dma_start3A_268] : memref<16384x64xf32, #tpu.memory_space<hbm>> -> memref<512x64xf32, #tpu.memory_space<hbm>>
      %dma_start3A_270 = arith.constant 0 : i32
      %dma_start3A_271 = tpu.memref_slice %arg9[%mul3A_2, %dma_start3A_270] : memref<16384x64xf32, #tpu.memory_space<hbm>> -> memref<512x64xf32, #tpu.memory_space<hbm>>
      tpu.enqueue_dma source(%arg18 : memref<512x64xf32, #tpu.memory_space<vmem>>) target(%dma_start3A_271 : memref<512x64xf32, #tpu.memory_space<hbm>>) target_semaphore(%run_scoped3A : memref<!tpu.dma_semaphore, #tpu.memory_space<semaphore_mem>>)
      %dma_wait3A_272 = arith.constant 0 : i32
      %dma_wait3A_273 = tpu.memref_slice %arg9[%mul3A_2, %dma_wait3A_272] : memref<16384x64xf32, #tpu.memory_space<hbm>> -> memref<512x64xf32, #tpu.memory_space<hbm>>
      %dma_wait3A_274 = arith.constant 0 : i32
      %dma_wait3A_275 = tpu.memref_slice %arg9[%mul3A_2, %dma_wait3A_274] : memref<16384x64xf32, #tpu.memory_space<hbm>> -> memref<512x64xf32, #tpu.memory_space<hbm>>
      tpu.wait_dma2 semaphore(%run_scoped3A : memref<!tpu.dma_semaphore, #tpu.memory_space<semaphore_mem>>) src(%arg18 : memref<512x64xf32, #tpu.memory_space<vmem>>) dst(%dma_wait3A_275 : memref<512x64xf32, #tpu.memory_space<hbm>>)
      tpu.yield
    }) : () -> ()
    return
  }
}

</mosaic_0001>

<sc_bundles>
// kernel: kernel.3.cloned.1.call-start
scs
__scs_entry_jumppad:
0x0: {  	(pc) =	sbr.rel $0x88, $3  }
0x1: {  	(tag) =	ssettag $0x0;
	lr =	simm.s32 $0x1  }
0x2: {  	[smem:$0x3F9B] =	sst lr;
	_ =	strace $0xD0000000  }
0x3: {  	_ = 	snop  }
0x4: {  	_ = 	snop  }
0x5: {  	_ = 	snop  }
0x6: {  	_ = 	snop  }
0x7: {  	_ = 	snop  }
__scs_overlays_trampoline_lowered:
0x8: {  	[smem:$0x3FAA] =	sst s0  }
0x9: {  	[smem:$0x3FAB] =	sst s1  }
0xa: {  	[smem:$0x3FAC] =	sst s2  }
0xb: {  	[smem:$0x3FAD] =	sst s3  }
0xc: {  	[smem:$0x3FAE] =	sst s4  }
0xd: {  	[smem:$0x3FAF] =	sst s5  }
0xe: {  	[smem:$0x3FB0] =	sst s6  }
0xf: {  	[smem:$0x3FB1] =	sst s7  }
0x10: {  	[smem:$0x3FB2] =	sst s8  }
0x11: {  	[smem:$0x3FB3] =	sst s9;
	s0 =	simm.s32 @!p0 $0x0  }
0x12: {  	s1 =	sld [smem:$0x3F99];
	s0 =	simm.s32 @p0 $0x1  }
0x13: {  	[smem:$0x3FB4] =	sst s0;
	s0 =	simm.s32 @!p1 $0x0  }
0x14: {  	s2 =	sld [smem:$0x3F98];
	s0 =	simm.s32 @p1 $0x1  }
0x15: {  	[smem:$0x3FB5] =	sst s0;
	s0 =	simm.s32 @!p2 $0x0  }
0x16: {  	s3 =	sld [smem:$0x3FDB];
	s0 =	simm.s32 @p2 $0x1  }
0x17: {  	s4 =	simm.s32 $0x1BF5;
	[smem:$0x3FB7] =	sst s0  }
0x18: {  	s0 =	sld [smem:$0x3F9A];
	_ =	swait.ge [sflag:s4], $0x0  }
0x19: {  	s7 =	sld [smem:$0x3F9B]  }
0x1a: {  	s8 =	sadd.s32 $0xFFFFE003, lr  }
0x1b: {  	s9 =	sadd.s32 $0xFFFFFEF7, lr;
	s5 =	simm.s32 $0xFFFFFFFF;
	p2 =	slt.u32 s8, $0xFFFFF086  }
0x1c: {  	p1 =	slt.u32 s9, $0xF7A;
	s5 =	simm.s32 @!p2 $0x0  }
0x1d: {  	s5 =	simm.s32 @p1 $0x1;
	p0 =	seq.s32 s7, s2  }
0x1e: {  	s7 =	smul.u32 @!p0 $0xF7A, s2;
	p2 =	seq.s32 @!p0 s5, $0x0  }
0x1f: {  	s9 =	smul.u32 $0xF7A, s1;
	s8 =	simm.s32 @!p0 $0x1BF5;
	p2 =	por !p2, p0  }
0x20: {  	[sflag:s8] =	ssyncset.s32 @!p0 $0xFFFFF086;
	s6 =	sadd.s32 @!p0 s3, s7;
	s7 =	simm.s32 @!p0 $0x108  }
0x21: {  	s3 =	sadd.s32 s3, s9;
	s6 =	sadd.s32 @!p0 $0x88, s6;
	s7 =	simm.s32 @p2 $0x1082  }
0x22: {  	[simem:s7], [sflag:s8] =	dma.local @!p0 [hbm:s6], $0xF7A  }
0x23: {  	s9 =	sor.u32 $0xD0000000, s2;
	s6 =	simm.s32 $0x108;
	_ =	swait.ge @!p0 [sflag:s8], $0x0  }
0x24: {  	s3 =	sadd.s32 $0x88, s3;
	s6 =	simm.s32 @!p1 $0x1082;
	[sflag:s4] =	ssyncset.s32 $0xFFFFF086  }
0x25: {  	[simem:s6], [sflag:s4] =	dma.local [hbm:s3], $0xF7A  }
0x26: {  	[smem:$0x3F9B] =	sst s1;
	(tag) =	ssettag s2;
	_ =	strace s9  }
0x27: {  	s1 =	sld [smem:$0x3FAB]  }
0x28: {  	s2 =	sld [smem:$0x3FAC]  }
0x29: {  	s4 =	sld [smem:$0x3FAE]  }
0x2a: {  	p0 =	seq.s32 s5, $0x0;
	s5 =	sld [smem:$0x3FAF]  }
0x2b: {  	s6 =	sld [smem:$0x3FB0]  }
0x2c: {  	s7 =	sld [smem:$0x3FB1]  }
0x2d: {  	s3 =	simm.s32 $0x108;
	s8 =	sld [smem:$0x3FB2]  }
0x2e: {  	s3 =	simm.s32 @!p0 $0x1082;
	s9 =	sld [smem:$0x3FB3]  }
0x2f: {  	lr =	sadd.s32 s0, s3;
	s0 =	sld [smem:$0x3FAA]  }
0x30: {  	s3 =	sld [smem:$0x3FAD]  }
0x31: {  	[smem:$0x3FB6] =	sst s10  }
0x32: {  	s10 =	sld [smem:$0x3FB4];
	_ =	sdelay $0x3  }
0x33: {  	p0 =	seq.s32 s10, $0x1;
	s10 =	sld [smem:$0x3FB6];
	_ =	sdelay $0x3  }
0x34: {  	[smem:$0x3FB6] =	sst s10  }
0x35: {  	s10 =	sld [smem:$0x3FB5];
	_ =	sdelay $0x3  }
0x36: {  	p1 =	seq.s32 s10, $0x1;
	s10 =	sld [smem:$0x3FB6];
	_ =	sdelay $0x3  }
0x37: {  	[smem:$0x3FB6] =	sst s10  }
0x38: {  	s10 =	sld [smem:$0x3FB7]  }
0x39: {  	_ = 	snop;
	(pc) =	sbr.ind lr, $3  }
0x3a: {  	_ = 	snop  }
0x3b: {  	_ = 	snop  }
0x3c: {  	p2 =	seq.s32 s10, $0x1;
	s10 =	sld [smem:$0x3FB6]  }
0x3d: {  	_ =	shalt  }
0x3e: {  	_ =	shalt  }
0x3f: {  	_ =	shalt  }
0x40: {  	_ =	shalt  }
0x41: {  	_ =	shalt  }
0x42: {  	_ =	shalt  }
0x43: {  	_ =	shalt  }
0x44: {  	_ =	shalt  }
0x45: {  	_ =	shalt  }
0x46: {  	_ =	shalt  }
0x47: {  	_ =	shalt  }
0x48: {  	_ =	shalt  }
0x49: {  	_ =	shalt  }
0x4a: {  	_ =	shalt  }
0x4b: {  	_ =	shalt  }
0x4c: {  	_ =	shalt  }
0x4d: {  	_ =	shalt  }
0x4e: {  	_ =	shalt  }
0x4f: {  	_ =	shalt  }
0x50: {  	_ =	shalt  }
0x51: {  	_ =	shalt  }
0x52: {  	_ =	shalt  }
0x53: {  	_ =	shalt  }
0x54: {  	_ =	shalt  }
0x55: {  	_ =	shalt  }
0x56: {  	_ =	shalt  }
0x57: {  	_ =	shalt  }
0x58: {  	_ =	shalt  }
0x59: {  	_ =	shalt  }
0x5a: {  	_ =	shalt  }
0x5b: {  	_ =	shalt  }
0x5c: {  	_ =	shalt  }
0x5d: {  	_ =	shalt  }
0x5e: {  	_ =	shalt  }
0x5f: {  	_ =	shalt  }
0x60: {  	_ =	shalt  }
0x61: {  	_ =	shalt  }
0x62: {  	_ =	shalt  }
0x63: {  	_ =	shalt  }
0x64: {  	_ =	shalt  }
0x65: {  	_ =	shalt  }
0x66: {  	_ =	shalt  }
0x67: {  	_ =	shalt  }
0x68: {  	_ =	shalt  }
0x69: {  	_ =	shalt  }
0x6a: {  	_ =	shalt  }
0x6b: {  	_ =	shalt  }
0x6c: {  	_ =	shalt  }
0x6d: {  	_ =	shalt  }
0x6e: {  	_ =	shalt  }
0x6f: {  	_ =	shalt  }
0x70: {  	_ =	shalt  }
0x71: {  	_ =	shalt  }
0x72: {  	_ =	shalt  }
0x73: {  	_ =	shalt  }
0x74: {  	_ =	shalt  }
0x75: {  	_ =	shalt  }
0x76: {  	_ =	shalt  }
0x77: {  	_ =	shalt  }
0x78: {  	_ =	shalt  }
0x79: {  	_ =	shalt  }
0x7a: {  	_ =	shalt  }
0x7b: {  	_ =	shalt  }
0x7c: {  	_ =	shalt  }
0x7d: {  	_ =	shalt  }
0x7e: {  	_ =	shalt  }
0x7f: {  	_ =	shalt  }
0x80: {  	_ =	shalt  }
0x81: {  	_ =	shalt  }
0x82: {  	_ =	shalt  }
0x83: {  	_ =	shalt  }
0x84: {  	_ =	shalt  }
0x85: {  	_ =	shalt  }
0x86: {  	_ =	shalt  }
0x87: {  	_ =	shalt  }
.Lfunc_end0:
.L_simem_size_0:
called_computation_lowered:
.L_overlay_start_0:
0x88: {  	s2 =	sld [smem:$0x3FD9]  }
0x89: {  	s3 =	sld [smem:$0x3FFE];
	_ =	sdelay $0x1  }
0x8a: {  	s1 =	srdreg.scid  }
0x8b: {  	s0 =	sand.u32 $0x1, s1  }
0x8c: {  	s17 =	sshll.u32 s0, $0xA;
	s2 =	sadd.s32 s3, s2  }
0x8d: {  	s2 =	sadd.s32 s2, s17  }
0x8e: {  	[smem:$0x3FC2] =	sst s2  }
0x8f: {  	_ = 	snop  }
0x90: {  	s2 =	sld [smem:$0x3FC8]  }
0x91: {  	s18 =	sld [smem:$0x3FD0];
	(tm) =	ssettm $0x1  }
0x92: {  	s4 =	sld [smem:$0x3FFB];
	_ =	sdelay $0x3  }
0x93: {  	_ =	strace s4  }
0x94: {  	s4 =	sld [smem:$0x3FFC];
	_ =	sdelay $0x3  }
0x95: {  	_ =	strace s4  }
0x96: {  	s4 =	sld [smem:$0x3FFD];
	_ =	sdelay $0x3  }
0x97: {  	_ =	strace s4  }
0x98: {  	_ =	strace $0x8FFFFFFF  }
0x99: {  	s19 =	sld [smem:$0x3FDB];
	_ =	sdelay $0x1  }
0x9a: {  	s5 =	simm.s32 $_scs_section_size  }
0x9b: {  	s6 =	simm.s32 $_size__tile_overlayer_lowered;
	s7 =	simm.s32 $_tile_overlayer_lowered  }
0x9c: {  	s22 =	simm.s32 $0x1BFF;
	s21 =	sshll.u32 s7, $0x1;
	s4 =	sadd.s32 s5, s19  }
0x9d: {  	s8 =	simm.s32 $0x0;
	s20 =	sshll.u32 s6, $0x1;
	s6 =	sadd.s32 s21, s4  }
0x9e: {  	[timem:s8], [sflag:s22] =	dma.local [hbm:s6], s20  }
0x9f: {  	_ =	swait.ge [sflag:s22], s20  }
0xa0: {  	s5 =	ssub.s32 $0x0, s20;
	[sflag:s22] =	ssyncset.done $0x0  }
0xa1: {  	[sflag:s22] =	ssyncadd.s32 s5;
	_ =	sdelay $0x1  }
0xa2: {  	s23 =	simm.s32 $0x1B8B  }
0xa3: {  	_ =	swait.ge [sflag:s23], $0x1  }
0xa4: {  	[sflag:s23] =	ssyncset.done $0x0  }
0xa5: {  	s25 =	simm.s32 $0x1B8E;
	s24 =	sld [smem:$0x3FFE];
	[sflag:s23] =	ssyncadd.s32 $0xFFFFFFFF  }
0xa6: {  	s26 =	simm.s32 $execute0_lowered;
	[smem:$0x3FD2] =	sst s25  }
0xa7: {  	s6 =	sshll.u32 s26, $0x1;
	_ =	strace $0x80000046;
	[dreg:$0x1] =	wrdreg $0xFFFFFFFF  }
0xa8: {  	s28 =	simm.s32 $_size_execute0_lowered;
	s4 =	sadd.s32 s4, s6;
	[dreg:$0x0] =	wrdreg $0x0  }
0xa9: {  	s6 =	sshll.u32 s28, $0x1;
	[dreg:$0x2] =	wrdreg s4  }
0xaa: {  	[dreg:$0x3] =	wrdreg s6  }
0xab: {  	[dreg:$0x4] =	wrdreg $0xC0  }
0xac: {  	_ =	task [dreg:s8], $0x5FFFF  }
0xad: {  	[dreg:$0x1] =	wrdreg $0xFFFFFFFF  }
0xae: {  	[dreg:$0x0] =	wrdreg $0x60  }
0xaf: {  	[dreg:$0x2] =	wrdreg s24  }
0xb0: {  	[dreg:$0x3] =	wrdreg s2  }
0xb1: {  	[dreg:$0x4] =	wrdreg s18  }
0xb2: {  	[dreg:$0x5] =	wrdreg $0x9  }
0xb3: {  	_ =	task.clear_ibuf [dreg:s8], $0x6FFFF;
	_ =	strace $0x90000046  }
0xb4: {  	s29 =	simm.s32 $0x9;
	_ =	strace $0x80000048  }
0xb5: {  	_ =	swait.ge [sflag:s29], $0x1  }
0xb6: {  	[sflag:s29] =	ssyncadd.s32 $0xFFFFFFFF  }
0xb7: {  	_ =	strace $0x90000048  }
0xb8: {  	_ =	sfence  }
0xb9: {  	s30 =	sld [smem:$0x0];
	_ =	sdelay $0x2  }
0xba: {  	s31 =	sshll.u32 s1, $0xD;
	s1 =	sshrl.u32 s1, $0x2  }
0xbb: {  	s3 =	sand.u32 $0x4000, s31;
	s1 =	sadd.s32 s1, s30  }
0xbc: {  	s0 =	sor.u32 s3, s0;
	s1 =	sshll.u32 s1, $0x11  }
0xbd: {  	s0 =	sor.u32 s1, s0  }
0xbe: {  	s0 =	sadd.s32 $0x8F2B, s0  }
0xbf: {  	[sflag:s0] =	ssyncadd.remote.s32 $0x1  }
0xc0: {  	_ =	sfence.sel $0xFFFF  }
0xc1: {  	[dreg:$0x0] =	wrdreg $0xFFFFFFFF;
	(pc) =	sbr.abs _section_cstart, $3  }
0xc2: {  	[dreg:$0x1] =	wrdreg $0xFFFFFFFF  }
0xc3: {  	_ =	task.clear_ibuf [dreg:s8], $0x2FFFF;
	_ =	strace $0x9FFFFFFF  }
0xc4: {  	(tm) =	ssettm $0x7FFFFFFF  }
0xc5: {  	_ =	shalt  }
tec
execute0_lowered:
.L_overlay_start_1:
0x0: {  	(tag) =	ssettag $0x1  }
0x1: {  	s0 =	rddreg [dreg:$0x0]  }
0x2: {  	s1 =	rddreg [dreg:$0x1]  }
0x3: {  	s10 =	rddreg [dreg:$0x2];
	s2 =	simm.s32 $0x0;
	s3 =	srdreg.scid  }
0x4: {  	s4 =	stileid.u32;
	s12 =	simm.s32 $0x5;
	s15 =	simm.s32 $0x80  }
0x5: {  	s26 =	simm.s32 $0x100;
	s31 =	simm.s32 $0xA800;
	s13 =	simm.s32 $0x3800  }
0x6: {  	s14 =	simm.s32 $0x7800;
	s16 =	simm.s32 $0x780;
	s17 =	simm.s32 $0xB800  }
0x7: {  	s18 =	simm.s32 $0xF800;
	s19 =	simm.s32 $0x1;
	s20 =	simm.s32 $0x2  }
0x8: {  	s21 =	simm.s32 $0x3;
	s22 =	simm.s32 $0x4;
	s23 =	simm.s32 $0x10800  }
0x9: {  	s24 =	simm.s32 $0x0;
	[smem:$0x7FF] =	sst s2;
	s5 =	sshll.u32 s4, $0xA  }
0xa: {  	s6 =	sand.u32 $0x1, s3;
	s3 =	sadd.s32 $0x24E800, s0;
	s4 =	sadd.s32 $0x1ECC00, s0  }
0xb: {  	_ =	strace $0x80000047;
	s7 =	sshll.u32 s6, $0x9;
	s9 =	ssub.s32 $0x2, s6  }
0xc: {  	s6 =	sadd.s32 $0x18B000, s0;
	s8 =	sor.u32 s7, s5;
	s11 =	sshrl.u32 s9, $0x1  }
0xd: {  	s5 =	sadd.s32 $0x311A00, s0;
	s7 =	sshrl.u32 s8, $0x3;
	s11 =	ssub.s32 s9, s11  }
0xe: {  	s30 =	sshll.u32 s8, $0x3;
	s0 =	sadd.s32 s7, s0;
	s7 =	sadd.s32 s1, s7  }
0xf: {  	s10 =	sadd.s32 s10, s30;
	s11 =	smax.u32 s11, $0x1;
	s1 =	simm.s32 $0x180  }
0x10: {  	s8 =	sadd.s32 $0x3600, s0;
	s9 =	sadd.s32 $0x3E00, s0;
	s0 =	simm.s32 $0xE800  }
.LBB2_1:
0x11: {  	[tilespmem:s2], [sflag:$0x5] =	stream.linear.gather [hbm4b:s7+s2], $0x200, $0x38;
	[tilespmem:$0x18800] =	vst v63  }
0x12: {  	_ =	swait.ge [sflag:s12], $0x200  }
0x13: {  	[sflag:s12] =	ssyncset.done $0x0  }
0x14: {  	s25 =	simm.s32 $0x400;
	[sflag:s12] =	ssyncadd.s32 $0xFFFFFE00  }
0x15: {  	[tilespmem:s25], [sflag:$0x5] =	stream.linear.gather [hbm4b:s8+s2], $0x200, $0x38;
	[tilespmem:$0x18800] =	vst v63  }
0x16: {  	_ =	swait.ge [sflag:s12], $0x200  }
0x17: {  	[sflag:s12] =	ssyncset.done $0x0  }
0x18: {  	s30 =	simm.s32 $0x200;
	[sflag:s12] =	ssyncadd.s32 $0xFFFFFE00  }
0x19: {  	[tilespmem:s30], [sflag:$0x5] =	stream.linear.gather [hbm4b:s9+s2], $0x200, $0x38;
	[tilespmem:$0x18800] =	vst v63  }
0x1a: {  	_ =	swait.ge [sflag:s12], $0x200  }
0x1b: {  	[sflag:s12] =	ssyncset.done $0x0  }
0x1c: {  	s25 =	simm.s32 $0x0;
	[sflag:s12] =	ssyncadd.s32 $0xFFFFFE00  }
0x1d: {  	v0 =	vld [tilespmem:s25+$0x400];
	_ =	sdelay $0x1  }
0x1e: {  	v1 =	vld [tilespmem:s25+$0x0]  }
0x1f: {  	s28 =	simm.s32 $0x40  }
.LBB2_2:
0x20: {  	p0 =	sne.s32 s28, $0x7C0  }
.Ltmp0:
0x21: {  	s29 =	sshra.s32 s28, $0x2;
	s28 =	sadd.s32 $0x40, s28;
	v2 =	vtrunc.f32 v0;
	(pc) =	sbr.rel @p0 .LBB2_2-.Ltmp0, $4  }
0x22: {  	v0 =	vld [tilespmem:s29+$0x400];
	v2 =	vcvt.f32.s32 v2  }
0x23: {  	v3 =	vshll.u32 v1, $0x1  }
0x24: {  	v1 =	vld [tilespmem:s29+$0x0];
	v2 =	vadd.s32 v2, v3  }
0x25: {  	[tilespmem:s25+$0x600] =	vst v2;
	s25 =	smov.u32 s29  }
0x26: {  	_ = 	snop  }
0x27: {  	v0 =	vtrunc.f32 v0  }
0x28: {  	v0 =	vcvt.f32.s32 v0  }
0x29: {  	v1 =	vshll.u32 v1, $0x1  }
0x2a: {  	v0 =	vadd.s32 v0, v1  }
0x2b: {  	s28 =	simm.s32 $0x800;
	[tilespmem:s25+$0x600] =	vst v0;
	s25 =	simm.s32 $0x0  }
0x2c: {  	[tilespmem:s28], [sflag:$0x1] =	stream.indirect.gather [hbm4b:s3+s15], $0x20, s25, s15, $0xb8;
	[tilespmem:$0x18800] =	vst v63  }
0x2d: {  	s28 =	simm.s32 $0x4800  }
0x2e: {  	[tilespmem:s28], [sflag:$0x2] =	stream.indirect.gather [hbm4b:s4+s15], $0x20, s25, s15, $0xb8;
	[tilespmem:$0x18800] =	vst v63  }
0x2f: {  	s29 =	simm.s32 $0x8800;
	s28 =	simm.s32 $0x600  }
0x30: {  	[tilespmem:s29], [sflag:$0x3] =	stream.indirect.gather [hbm4b:s5+s15], $0x20, s28, s15, $0xb8;
	[tilespmem:$0x18800] =	vst v63  }
0x31: {  	s28 =	simm.s32 $0xC800  }
0x32: {  	[tilespmem:s28], [sflag:$0x4] =	stream.indirect.gather [hbm4b:s6+s15], $0x20, s25, s15, $0xb8;
	[tilespmem:$0x18800] =	vst v63  }
0x33: {  	s28 =	simm.s32 $0x1800  }
0x34: {  	[tilespmem:s28], [sflag:$0x1] =	stream.indirect.gather [hbm4b:s3+s15], $0x20, s15, s15, $0xb8;
	[tilespmem:$0x18800] =	vst v63  }
0x35: {  	s28 =	simm.s32 $0x5800  }
0x36: {  	[tilespmem:s28], [sflag:$0x2] =	stream.indirect.gather [hbm4b:s4+s15], $0x20, s15, s15, $0xb8;
	[tilespmem:$0x18800] =	vst v63  }
0x37: {  	s29 =	simm.s32 $0x9800;
	s28 =	simm.s32 $0x680  }
0x38: {  	[tilespmem:s29], [sflag:$0x3] =	stream.indirect.gather [hbm4b:s5+s15], $0x20, s28, s15, $0xb8;
	[tilespmem:$0x18800] =	vst v63  }
0x39: {  	s28 =	simm.s32 $0xD800  }
0x3a: {  	[tilespmem:s28], [sflag:$0x4] =	stream.indirect.gather [hbm4b:s6+s15], $0x20, s15, s15, $0xb8;
	[tilespmem:$0x18800] =	vst v63  }
0x3b: {  	s28 =	simm.s32 $0x2800  }
0x3c: {  	[tilespmem:s28], [sflag:$0x1] =	stream.indirect.gather [hbm4b:s3+s15], $0x20, s26, s15, $0xb8;
	[tilespmem:$0x18800] =	vst v63  }
0x3d: {  	s28 =	simm.s32 $0x6800  }
0x3e: {  	[tilespmem:s28], [sflag:$0x2] =	stream.indirect.gather [hbm4b:s4+s15], $0x20, s26, s15, $0xb8;
	[tilespmem:$0x18800] =	vst v63  }
0x3f: {  	s28 =	simm.s32 $0x700  }
0x40: {  	[tilespmem:s31], [sflag:$0x3] =	stream.indirect.gather [hbm4b:s5+s15], $0x20, s28, s15, $0xb8;
	[tilespmem:$0x18800] =	vst v63  }
0x41: {  	_ = 	snop  }
0x42: {  	[tilespmem:s0], [sflag:$0x4] =	stream.indirect.gather [hbm4b:s6+s15], $0x20, s26, s15, $0xb8;
	[tilespmem:$0x18800] =	vst v63  }
0x43: {  	_ = 	snop  }
0x44: {  	[tilespmem:s13], [sflag:$0x1] =	stream.indirect.gather [hbm4b:s3+s15], $0x20, s1, s15, $0xb8;
	[tilespmem:$0x18800] =	vst v63  }
0x45: {  	_ = 	snop  }
0x46: {  	[tilespmem:s14], [sflag:$0x2] =	stream.indirect.gather [hbm4b:s4+s15], $0x20, s1, s15, $0xb8;
	[tilespmem:$0x18800] =	vst v63  }
0x47: {  	_ = 	snop  }
0x48: {  	[tilespmem:s17], [sflag:$0x3] =	stream.indirect.gather [hbm4b:s5+s15], $0x20, s16, s15, $0xb8;
	[tilespmem:$0x18800] =	vst v63  }
0x49: {  	_ = 	snop  }
0x4a: {  	[tilespmem:s18], [sflag:$0x4] =	stream.indirect.gather [hbm4b:s6+s15], $0x20, s1, s15, $0xb8;
	[tilespmem:$0x18800] =	vst v63  }
0x4b: {  	_ =	swait.ge [sflag:s19], $0x1000  }
0x4c: {  	[sflag:s19] =	ssyncset.done $0x0  }
0x4d: {  	[sflag:s19] =	ssyncadd.s32 $0xFFFFF000  }
0x4e: {  	_ =	swait.ge [sflag:s20], $0x1000  }
0x4f: {  	[sflag:s20] =	ssyncset.done $0x0  }
0x50: {  	[sflag:s20] =	ssyncadd.s32 $0xFFFFF000  }
0x51: {  	_ =	swait.ge [sflag:s21], $0x1000  }
0x52: {  	[sflag:s21] =	ssyncset.done $0x0  }
0x53: {  	[sflag:s21] =	ssyncadd.s32 $0xFFFFF000  }
0x54: {  	_ =	swait.ge [sflag:s22], $0x1000  }
0x55: {  	[sflag:s22] =	ssyncset.done $0x0  }
0x56: {  	[sflag:s22] =	ssyncadd.s32 $0xFFFFF000  }
0x57: {  	_ =	swait.ge [sflag:s19], $0x1000  }
0x58: {  	[sflag:s19] =	ssyncset.done $0x0  }
0x59: {  	[sflag:s19] =	ssyncadd.s32 $0xFFFFF000  }
0x5a: {  	_ =	swait.ge [sflag:s20], $0x1000  }
0x5b: {  	[sflag:s20] =	ssyncset.done $0x0  }
0x5c: {  	[sflag:s20] =	ssyncadd.s32 $0xFFFFF000  }
0x5d: {  	_ =	swait.ge [sflag:s21], $0x1000  }
0x5e: {  	[sflag:s21] =	ssyncset.done $0x0  }
0x5f: {  	[sflag:s21] =	ssyncadd.s32 $0xFFFFF000  }
0x60: {  	_ =	swait.ge [sflag:s22], $0x1000  }
0x61: {  	[sflag:s22] =	ssyncset.done $0x0  }
0x62: {  	[sflag:s22] =	ssyncadd.s32 $0xFFFFF000  }
0x63: {  	_ =	swait.ge [sflag:s19], $0x1000  }
0x64: {  	[sflag:s19] =	ssyncset.done $0x0  }
0x65: {  	[sflag:s19] =	ssyncadd.s32 $0xFFFFF000  }
0x66: {  	_ =	swait.ge [sflag:s20], $0x1000  }
0x67: {  	[sflag:s20] =	ssyncset.done $0x0  }
0x68: {  	[sflag:s20] =	ssyncadd.s32 $0xFFFFF000  }
0x69: {  	_ =	swait.ge [sflag:s21], $0x1000  }
0x6a: {  	[sflag:s21] =	ssyncset.done $0x0  }
0x6b: {  	[sflag:s21] =	ssyncadd.s32 $0xFFFFF000  }
0x6c: {  	_ =	swait.ge [sflag:s22], $0x1000  }
0x6d: {  	[sflag:s22] =	ssyncset.done $0x0  }
0x6e: {  	[sflag:s22] =	ssyncadd.s32 $0xFFFFF000  }
0x6f: {  	_ =	swait.ge [sflag:s19], $0x1000  }
0x70: {  	[sflag:s19] =	ssyncset.done $0x0  }
0x71: {  	[sflag:s19] =	ssyncadd.s32 $0xFFFFF000  }
0x72: {  	_ =	swait.ge [sflag:s20], $0x1000  }
0x73: {  	[sflag:s20] =	ssyncset.done $0x0  }
0x74: {  	[sflag:s20] =	ssyncadd.s32 $0xFFFFF000  }
0x75: {  	_ =	swait.ge [sflag:s21], $0x1000  }
0x76: {  	[sflag:s21] =	ssyncset.done $0x0  }
0x77: {  	[sflag:s21] =	ssyncadd.s32 $0xFFFFF000  }
0x78: {  	_ =	swait.ge [sflag:s22], $0x1000  }
0x79: {  	[sflag:s22] =	ssyncset.done $0x0  }
0x7a: {  	s29 =	simm.s32 $0x10A00;
	s28 =	simm.s32 $0x200;
	[sflag:s22] =	ssyncadd.s32 $0xFFFFF000  }
.LBB2_4:
0x7b: {  	v0 =	vld [tilespmem:s28+$0x0]  }
0x7c: {  	s30 =	sshra.s32 s25, $0x2  }
0x7d: {  	v1 =	vld [tilespmem:s30+$0x800];
	_ =	sdelay $0x1  }
0x7e: {  	v2 =	vld [tilespmem:s30+$0x4800]  }
0x7f: {  	v3 =	vbroadcast v0, $0x0;
	_ =	sdelay $0x1  }
0x80: {  	v1 =	vmul.f32 v3, v1;
	_ =	sdelay $0x1  }
0x81: {  	v1 =	vadd.f32 v2, v1;
	_ =	sdelay $0x1  }
0x82: {  	[tilespmem:s29+$0xFFFFFE00] =	vst v1  }
0x83: {  	v1 =	vld [tilespmem:s30+$0x810];
	_ =	sdelay $0x1  }
0x84: {  	v45 =	vld [tilespmem:s30+$0x4810];
	_ =	sdelay $0x2  }
0x85: {  	v1 =	vmul.f32 v1, v3;
	_ =	sdelay $0x1  }
0x86: {  	v1 =	vadd.f32 v45, v1;
	_ =	sdelay $0x1  }
0x87: {  	[tilespmem:s29+$0xFFFFFE10] =	vst v1  }
0x88: {  	v1 =	vld [tilespmem:s30+$0x8800]  }
0x89: {  	v46 =	vld [tilespmem:s30+$0xC800];
	_ =	sdelay $0x4  }
0x8a: {  	v1 =	vadd.f32 v46, v1;
	_ =	sdelay $0x1  }
0x8b: {  	[tilespmem:s29+$0xFFFFFE20] =	vst v1  }
0x8c: {  	v1 =	vld [tilespmem:s30+$0x8810]  }
0x8d: {  	v47 =	vld [tilespmem:s30+$0xC810];
	_ =	sdelay $0x4  }
0x8e: {  	v1 =	vadd.f32 v47, v1;
	_ =	sdelay $0x1  }
0x8f: {  	[tilespmem:s29+$0xFFFFFE30] =	vst v1  }
0x90: {  	v1 =	vld [tilespmem:s30+$0x820];
	_ =	sdelay $0x1  }
0x91: {  	v48 =	vld [tilespmem:s30+$0x4820]  }
0x92: {  	v49 =	vbroadcast v0, $0x1;
	_ =	sdelay $0x1  }
0x93: {  	v1 =	vmul.f32 v1, v49;
	_ =	sdelay $0x1  }
0x94: {  	v1 =	vadd.f32 v48, v1;
	_ =	sdelay $0x1  }
0x95: {  	[tilespmem:s29+$0xFFFFFE40] =	vst v1  }
0x96: {  	v1 =	vld [tilespmem:s30+$0x830];
	_ =	sdelay $0x1  }
0x97: {  	v50 =	vld [tilespmem:s30+$0x4830];
	_ =	sdelay $0x2  }
0x98: {  	v1 =	vmul.f32 v1, v49;
	_ =	sdelay $0x1  }
0x99: {  	v1 =	vadd.f32 v50, v1;
	_ =	sdelay $0x1  }
0x9a: {  	[tilespmem:s29+$0xFFFFFE50] =	vst v1  }
0x9b: {  	v1 =	vld [tilespmem:s30+$0x8820]  }
0x9c: {  	v51 =	vld [tilespmem:s30+$0xC820];
	_ =	sdelay $0x4  }
0x9d: {  	v1 =	vadd.f32 v51, v1;
	_ =	sdelay $0x1  }
0x9e: {  	[tilespmem:s29+$0xFFFFFE60] =	vst v1  }
0x9f: {  	v1 =	vld [tilespmem:s30+$0x8830]  }
0xa0: {  	v52 =	vld [tilespmem:s30+$0xC830];
	_ =	sdelay $0x4  }
0xa1: {  	v1 =	vadd.f32 v52, v1;
	_ =	sdelay $0x1  }
0xa2: {  	[tilespmem:s29+$0xFFFFFE70] =	vst v1  }
0xa3: {  	v1 =	vld [tilespmem:s30+$0x840];
	_ =	sdelay $0x1  }
0xa4: {  	v53 =	vld [tilespmem:s30+$0x4840]  }
0xa5: {  	v54 =	vbroadcast v0, $0x2;
	_ =	sdelay $0x1  }
0xa6: {  	v1 =	vmul.f32 v1, v54;
	_ =	sdelay $0x1  }
0xa7: {  	v1 =	vadd.f32 v53, v1;
	_ =	sdelay $0x1  }
0xa8: {  	[tilespmem:s29+$0xFFFFFE80] =	vst v1  }
0xa9: {  	v1 =	vld [tilespmem:s30+$0x850];
	_ =	sdelay $0x1  }
0xaa: {  	v55 =	vld [tilespmem:s30+$0x4850];
	_ =	sdelay $0x2  }
0xab: {  	v1 =	vmul.f32 v1, v54;
	_ =	sdelay $0x1  }
0xac: {  	v1 =	vadd.f32 v55, v1;
	_ =	sdelay $0x1  }
0xad: {  	[tilespmem:s29+$0xFFFFFE90] =	vst v1  }
0xae: {  	v1 =	vld [tilespmem:s30+$0x8840]  }
0xaf: {  	v56 =	vld [tilespmem:s30+$0xC840];
	_ =	sdelay $0x4  }
0xb0: {  	v1 =	vadd.f32 v56, v1;
	_ =	sdelay $0x1  }
0xb1: {  	[tilespmem:s29+$0xFFFFFEA0] =	vst v1  }
0xb2: {  	v1 =	vld [tilespmem:s30+$0x8850]  }
0xb3: {  	v57 =	vld [tilespmem:s30+$0xC850];
	_ =	sdelay $0x4  }
0xb4: {  	v1 =	vadd.f32 v57, v1;
	_ =	sdelay $0x1  }
0xb5: {  	[tilespmem:s29+$0xFFFFFEB0] =	vst v1  }
0xb6: {  	v1 =	vld [tilespmem:s30+$0x860];
	_ =	sdelay $0x1  }
0xb7: {  	v58 =	vld [tilespmem:s30+$0x4860]  }
0xb8: {  	v59 =	vbroadcast v0, $0x3;
	_ =	sdelay $0x1  }
0xb9: {  	v1 =	vmul.f32 v1, v59;
	_ =	sdelay $0x1  }
0xba: {  	v1 =	vadd.f32 v58, v1;
	_ =	sdelay $0x1  }
0xbb: {  	[tilespmem:s29+$0xFFFFFEC0] =	vst v1  }
0xbc: {  	v1 =	vld [tilespmem:s30+$0x870];
	_ =	sdelay $0x1  }
0xbd: {  	v60 =	vld [tilespmem:s30+$0x4870];
	_ =	sdelay $0x2  }
0xbe: {  	v1 =	vmul.f32 v1, v59;
	_ =	sdelay $0x1  }
0xbf: {  	v1 =	vadd.f32 v60, v1;
	_ =	sdelay $0x1  }
0xc0: {  	[tilespmem:s29+$0xFFFFFED0] =	vst v1  }
0xc1: {  	v1 =	vld [tilespmem:s30+$0x8860]  }
0xc2: {  	v61 =	vld [tilespmem:s30+$0xC860];
	_ =	sdelay $0x4  }
0xc3: {  	v1 =	vadd.f32 v61, v1;
	_ =	sdelay $0x1  }
0xc4: {  	[tilespmem:s29+$0xFFFFFEE0] =	vst v1  }
0xc5: {  	v1 =	vld [tilespmem:s30+$0x8870]  }
0xc6: {  	v62 =	vld [tilespmem:s30+$0xC870];
	_ =	sdelay $0x4  }
0xc7: {  	v1 =	vadd.f32 v62, v1;
	_ =	sdelay $0x1  }
0xc8: {  	[tilespmem:s29+$0xFFFFFEF0] =	vst v1  }
0xc9: {  	v1 =	vld [tilespmem:s30+$0x880];
	_ =	sdelay $0x1  }
0xca: {  	v63 =	vld [tilespmem:s30+$0x4880]  }
0xcb: {  	v6 =	vbroadcast v0, $0x4;
	_ =	sdelay $0x1  }
0xcc: {  	v1 =	vmul.f32 v1, v6;
	_ =	sdelay $0x1  }
0xcd: {  	v1 =	vadd.f32 v63, v1;
	_ =	sdelay $0x1  }
0xce: {  	[tilespmem:s29+$0xFFFFFF00] =	vst v1  }
0xcf: {  	v1 =	vld [tilespmem:s30+$0x890];
	_ =	sdelay $0x1  }
0xd0: {  	v7 =	vld [tilespmem:s30+$0x4890];
	_ =	sdelay $0x2  }
0xd1: {  	v1 =	vmul.f32 v1, v6;
	_ =	sdelay $0x1  }
0xd2: {  	v1 =	vadd.f32 v7, v1;
	_ =	sdelay $0x1  }
0xd3: {  	[tilespmem:s29+$0xFFFFFF10] =	vst v1  }
0xd4: {  	v1 =	vld [tilespmem:s30+$0x8880]  }
0xd5: {  	v8 =	vld [tilespmem:s30+$0xC880];
	_ =	sdelay $0x4  }
0xd6: {  	v1 =	vadd.f32 v8, v1;
	_ =	sdelay $0x1  }
0xd7: {  	[tilespmem:s29+$0xFFFFFF20] =	vst v1  }
0xd8: {  	v1 =	vld [tilespmem:s30+$0x8890]  }
0xd9: {  	v9 =	vld [tilespmem:s30+$0xC890];
	_ =	sdelay $0x4  }
0xda: {  	v1 =	vadd.f32 v9, v1;
	_ =	sdelay $0x1  }
0xdb: {  	[tilespmem:s29+$0xFFFFFF30] =	vst v1  }
0xdc: {  	v1 =	vld [tilespmem:s30+$0x8A0];
	_ =	sdelay $0x1  }
0xdd: {  	v10 =	vld [tilespmem:s30+$0x48A0]  }
0xde: {  	v11 =	vbroadcast v0, $0x5;
	_ =	sdelay $0x1  }
0xdf: {  	v1 =	vmul.f32 v1, v11;
	_ =	sdelay $0x1  }
0xe0: {  	v1 =	vadd.f32 v10, v1;
	_ =	sdelay $0x1  }
0xe1: {  	[tilespmem:s29+$0xFFFFFF40] =	vst v1  }
0xe2: {  	v1 =	vld [tilespmem:s30+$0x8B0];
	_ =	sdelay $0x1  }
0xe3: {  	v12 =	vld [tilespmem:s30+$0x48B0];
	_ =	sdelay $0x2  }
0xe4: {  	v1 =	vmul.f32 v1, v11;
	_ =	sdelay $0x1  }
0xe5: {  	v1 =	vadd.f32 v12, v1;
	_ =	sdelay $0x1  }
0xe6: {  	[tilespmem:s29+$0xFFFFFF50] =	vst v1  }
0xe7: {  	v1 =	vld [tilespmem:s30+$0x88A0]  }
0xe8: {  	v13 =	vld [tilespmem:s30+$0xC8A0];
	_ =	sdelay $0x4  }
0xe9: {  	v1 =	vadd.f32 v13, v1;
	_ =	sdelay $0x1  }
0xea: {  	[tilespmem:s29+$0xFFFFFF60] =	vst v1  }
0xeb: {  	v1 =	vld [tilespmem:s30+$0x88B0]  }
0xec: {  	v14 =	vld [tilespmem:s30+$0xC8B0];
	_ =	sdelay $0x4  }
0xed: {  	v1 =	vadd.f32 v14, v1;
	_ =	sdelay $0x1  }
0xee: {  	[tilespmem:s29+$0xFFFFFF70] =	vst v1  }
0xef: {  	v1 =	vld [tilespmem:s30+$0x8C0];
	_ =	sdelay $0x1  }
0xf0: {  	v15 =	vld [tilespmem:s30+$0x48C0]  }
0xf1: {  	v16 =	vbroadcast v0, $0x6;
	_ =	sdelay $0x1  }
0xf2: {  	v1 =	vmul.f32 v1, v16;
	_ =	sdelay $0x1  }
0xf3: {  	v1 =	vadd.f32 v15, v1;
	_ =	sdelay $0x1  }
0xf4: {  	[tilespmem:s29+$0xFFFFFF80] =	vst v1  }
0xf5: {  	v1 =	vld [tilespmem:s30+$0x8D0];
	_ =	sdelay $0x1  }
0xf6: {  	v17 =	vld [tilespmem:s30+$0x48D0];
	_ =	sdelay $0x2  }
0xf7: {  	v1 =	vmul.f32 v1, v16;
	_ =	sdelay $0x1  }
0xf8: {  	v1 =	vadd.f32 v17, v1;
	_ =	sdelay $0x1  }
0xf9: {  	[tilespmem:s29+$0xFFFFFF90] =	vst v1  }
0xfa: {  	v1 =	vld [tilespmem:s30+$0x88C0]  }
0xfb: {  	v18 =	vld [tilespmem:s30+$0xC8C0];
	_ =	sdelay $0x4  }
0xfc: {  	v1 =	vadd.f32 v18, v1;
	_ =	sdelay $0x1  }
0xfd: {  	[tilespmem:s29+$0xFFFFFFA0] =	vst v1  }
0xfe: {  	v1 =	vld [tilespmem:s30+$0x88D0]  }
0xff: {  	v19 =	vld [tilespmem:s30+$0xC8D0];
	_ =	sdelay $0x4  }
0x100: {  	v1 =	vadd.f32 v19, v1;
	_ =	sdelay $0x1  }
0x101: {  	[tilespmem:s29+$0xFFFFFFB0] =	vst v1  }
0x102: {  	v1 =	vld [tilespmem:s30+$0x8E0];
	_ =	sdelay $0x1  }
0x103: {  	v20 =	vld [tilespmem:s30+$0x48E0]  }
0x104: {  	v21 =	vbroadcast v0, $0x7;
	_ =	sdelay $0x1  }
0x105: {  	v1 =	vmul.f32 v1, v21;
	_ =	sdelay $0x1  }
0x106: {  	v1 =	vadd.f32 v20, v1;
	_ =	sdelay $0x1  }
0x107: {  	[tilespmem:s29+$0xFFFFFFC0] =	vst v1  }
0x108: {  	v1 =	vld [tilespmem:s30+$0x8F0];
	_ =	sdelay $0x1  }
0x109: {  	v22 =	vld [tilespmem:s30+$0x48F0];
	_ =	sdelay $0x2  }
0x10a: {  	v1 =	vmul.f32 v1, v21;
	_ =	sdelay $0x1  }
0x10b: {  	v1 =	vadd.f32 v22, v1;
	_ =	sdelay $0x1  }
0x10c: {  	[tilespmem:s29+$0xFFFFFFD0] =	vst v1  }
0x10d: {  	v1 =	vld [tilespmem:s30+$0x88E0]  }
0x10e: {  	v23 =	vld [tilespmem:s30+$0xC8E0];
	_ =	sdelay $0x4  }
0x10f: {  	v1 =	vadd.f32 v23, v1;
	_ =	sdelay $0x1  }
0x110: {  	[tilespmem:s29+$0xFFFFFFE0] =	vst v1  }
0x111: {  	v1 =	vld [tilespmem:s30+$0x88F0]  }
0x112: {  	v24 =	vld [tilespmem:s30+$0xC8F0];
	_ =	sdelay $0x4  }
0x113: {  	v1 =	vadd.f32 v24, v1;
	_ =	sdelay $0x1  }
0x114: {  	[tilespmem:s29+$0xFFFFFFF0] =	vst v1  }
0x115: {  	v1 =	vld [tilespmem:s30+$0x900];
	_ =	sdelay $0x1  }
0x116: {  	v25 =	vld [tilespmem:s30+$0x4900]  }
0x117: {  	v26 =	vbroadcast v0, $0x8;
	_ =	sdelay $0x1  }
0x118: {  	v1 =	vmul.f32 v1, v26;
	_ =	sdelay $0x1  }
0x119: {  	v1 =	vadd.f32 v25, v1;
	_ =	sdelay $0x1  }
0x11a: {  	[tilespmem:s29+$0x0] =	vst v1  }
0x11b: {  	v1 =	vld [tilespmem:s30+$0x910];
	_ =	sdelay $0x1  }
0x11c: {  	v27 =	vld [tilespmem:s30+$0x4910];
	_ =	sdelay $0x2  }
0x11d: {  	v1 =	vmul.f32 v1, v26;
	_ =	sdelay $0x1  }
0x11e: {  	v1 =	vadd.f32 v27, v1;
	_ =	sdelay $0x1  }
0x11f: {  	[tilespmem:s29+$0x10] =	vst v1  }
0x120: {  	v1 =	vld [tilespmem:s30+$0x8900]  }
0x121: {  	v28 =	vld [tilespmem:s30+$0xC900];
	_ =	sdelay $0x4  }
0x122: {  	v1 =	vadd.f32 v28, v1;
	_ =	sdelay $0x1  }
0x123: {  	[tilespmem:s29+$0x20] =	vst v1  }
0x124: {  	v1 =	vld [tilespmem:s30+$0x8910]  }
0x125: {  	v29 =	vld [tilespmem:s30+$0xC910];
	_ =	sdelay $0x4  }
0x126: {  	v1 =	vadd.f32 v29, v1;
	_ =	sdelay $0x1  }
0x127: {  	[tilespmem:s29+$0x30] =	vst v1  }
0x128: {  	v1 =	vld [tilespmem:s30+$0x920];
	_ =	sdelay $0x1  }
0x129: {  	v30 =	vld [tilespmem:s30+$0x4920]  }
0x12a: {  	v31 =	vbroadcast v0, $0x9;
	_ =	sdelay $0x1  }
0x12b: {  	v1 =	vmul.f32 v1, v31;
	_ =	sdelay $0x1  }
0x12c: {  	v1 =	vadd.f32 v30, v1;
	_ =	sdelay $0x1  }
0x12d: {  	[tilespmem:s29+$0x40] =	vst v1  }
0x12e: {  	v1 =	vld [tilespmem:s30+$0x930];
	_ =	sdelay $0x1  }
0x12f: {  	v32 =	vld [tilespmem:s30+$0x4930];
	_ =	sdelay $0x2  }
0x130: {  	v1 =	vmul.f32 v1, v31;
	_ =	sdelay $0x1  }
0x131: {  	v1 =	vadd.f32 v32, v1;
	_ =	sdelay $0x1  }
0x132: {  	[tilespmem:s29+$0x50] =	vst v1  }
0x133: {  	v1 =	vld [tilespmem:s30+$0x8920]  }
0x134: {  	v33 =	vld [tilespmem:s30+$0xC920];
	_ =	sdelay $0x4  }
0x135: {  	v1 =	vadd.f32 v33, v1;
	_ =	sdelay $0x1  }
0x136: {  	[tilespmem:s29+$0x60] =	vst v1  }
0x137: {  	v1 =	vld [tilespmem:s30+$0x8930]  }
0x138: {  	v34 =	vld [tilespmem:s30+$0xC930];
	_ =	sdelay $0x4  }
0x139: {  	v1 =	vadd.f32 v34, v1;
	_ =	sdelay $0x1  }
0x13a: {  	[tilespmem:s29+$0x70] =	vst v1  }
0x13b: {  	v1 =	vld [tilespmem:s30+$0x940];
	_ =	sdelay $0x1  }
0x13c: {  	v35 =	vld [tilespmem:s30+$0x4940]  }
0x13d: {  	v36 =	vbroadcast v0, $0xA;
	_ =	sdelay $0x1  }
0x13e: {  	v1 =	vmul.f32 v1, v36;
	_ =	sdelay $0x1  }
0x13f: {  	v1 =	vadd.f32 v35, v1;
	_ =	sdelay $0x1  }
0x140: {  	[tilespmem:s29+$0x80] =	vst v1  }
0x141: {  	v1 =	vld [tilespmem:s30+$0x950];
	_ =	sdelay $0x1  }
0x142: {  	v37 =	vld [tilespmem:s30+$0x4950];
	_ =	sdelay $0x2  }
0x143: {  	v1 =	vmul.f32 v1, v36;
	_ =	sdelay $0x1  }
0x144: {  	v1 =	vadd.f32 v37, v1;
	_ =	sdelay $0x1  }
0x145: {  	[tilespmem:s29+$0x90] =	vst v1  }
0x146: {  	v1 =	vld [tilespmem:s30+$0x8940]  }
0x147: {  	v38 =	vld [tilespmem:s30+$0xC940];
	_ =	sdelay $0x4  }
0x148: {  	v1 =	vadd.f32 v38, v1;
	_ =	sdelay $0x1  }
0x149: {  	[tilespmem:s29+$0xA0] =	vst v1  }
0x14a: {  	v1 =	vld [tilespmem:s30+$0x8950]  }
0x14b: {  	v39 =	vld [tilespmem:s30+$0xC950];
	_ =	sdelay $0x4  }
0x14c: {  	v1 =	vadd.f32 v39, v1;
	_ =	sdelay $0x1  }
0x14d: {  	[tilespmem:s29+$0xB0] =	vst v1  }
0x14e: {  	v1 =	vld [tilespmem:s30+$0x960];
	_ =	sdelay $0x1  }
0x14f: {  	v40 =	vld [tilespmem:s30+$0x4960]  }
0x150: {  	v41 =	vbroadcast v0, $0xB;
	_ =	sdelay $0x1  }
0x151: {  	v1 =	vmul.f32 v1, v41;
	_ =	sdelay $0x1  }
0x152: {  	v1 =	vadd.f32 v40, v1;
	_ =	sdelay $0x1  }
0x153: {  	[tilespmem:s29+$0xC0] =	vst v1  }
0x154: {  	v1 =	vld [tilespmem:s30+$0x970];
	_ =	sdelay $0x1  }
0x155: {  	v42 =	vld [tilespmem:s30+$0x4970];
	_ =	sdelay $0x2  }
0x156: {  	v1 =	vmul.f32 v1, v41;
	_ =	sdelay $0x1  }
0x157: {  	v1 =	vadd.f32 v42, v1;
	_ =	sdelay $0x1  }
0x158: {  	[tilespmem:s29+$0xD0] =	vst v1  }
0x159: {  	v1 =	vld [tilespmem:s30+$0x8960]  }
0x15a: {  	v43 =	vld [tilespmem:s30+$0xC960];
	_ =	sdelay $0x4  }
0x15b: {  	v1 =	vadd.f32 v43, v1;
	_ =	sdelay $0x1  }
0x15c: {  	[tilespmem:s29+$0xE0] =	vst v1  }
0x15d: {  	v1 =	vld [tilespmem:s30+$0x8970]  }
0x15e: {  	v44 =	vld [tilespmem:s30+$0xC970];
	_ =	sdelay $0x4  }
0x15f: {  	v1 =	vadd.f32 v44, v1;
	_ =	sdelay $0x1  }
0x160: {  	[tilespmem:s29+$0xF0] =	vst v1  }
0x161: {  	v1 =	vld [tilespmem:s30+$0x980];
	_ =	sdelay $0x1  }
0x162: {  	v45 =	vld [tilespmem:s30+$0x4980]  }
0x163: {  	v46 =	vbroadcast v0, $0xC;
	_ =	sdelay $0x1  }
0x164: {  	v1 =	vmul.f32 v1, v46;
	_ =	sdelay $0x1  }
0x165: {  	v1 =	vadd.f32 v45, v1;
	_ =	sdelay $0x1  }
0x166: {  	[tilespmem:s29+$0x100] =	vst v1  }
0x167: {  	v1 =	vld [tilespmem:s30+$0x990];
	_ =	sdelay $0x1  }
0x168: {  	v47 =	vld [tilespmem:s30+$0x4990];
	_ =	sdelay $0x2  }
0x169: {  	v1 =	vmul.f32 v1, v46;
	_ =	sdelay $0x1  }
0x16a: {  	v1 =	vadd.f32 v47, v1;
	_ =	sdelay $0x1  }
0x16b: {  	[tilespmem:s29+$0x110] =	vst v1  }
0x16c: {  	v1 =	vld [tilespmem:s30+$0x8980]  }
0x16d: {  	v48 =	vld [tilespmem:s30+$0xC980];
	_ =	sdelay $0x4  }
0x16e: {  	v1 =	vadd.f32 v48, v1;
	_ =	sdelay $0x1  }
0x16f: {  	[tilespmem:s29+$0x120] =	vst v1  }
0x170: {  	v1 =	vld [tilespmem:s30+$0x8990]  }
0x171: {  	v49 =	vld [tilespmem:s30+$0xC990];
	_ =	sdelay $0x4  }
0x172: {  	v1 =	vadd.f32 v49, v1;
	_ =	sdelay $0x1  }
0x173: {  	[tilespmem:s29+$0x130] =	vst v1  }
0x174: {  	v1 =	vld [tilespmem:s30+$0x9A0];
	_ =	sdelay $0x1  }
0x175: {  	v50 =	vld [tilespmem:s30+$0x49A0]  }
0x176: {  	v51 =	vbroadcast v0, $0xD;
	_ =	sdelay $0x1  }
0x177: {  	v1 =	vmul.f32 v1, v51;
	_ =	sdelay $0x1  }
0x178: {  	v1 =	vadd.f32 v50, v1;
	_ =	sdelay $0x1  }
0x179: {  	[tilespmem:s29+$0x140] =	vst v1  }
0x17a: {  	v1 =	vld [tilespmem:s30+$0x9B0];
	_ =	sdelay $0x1  }
0x17b: {  	v52 =	vld [tilespmem:s30+$0x49B0];
	_ =	sdelay $0x2  }
0x17c: {  	v1 =	vmul.f32 v1, v51;
	_ =	sdelay $0x1  }
0x17d: {  	v1 =	vadd.f32 v52, v1;
	_ =	sdelay $0x1  }
0x17e: {  	[tilespmem:s29+$0x150] =	vst v1  }
0x17f: {  	v1 =	vld [tilespmem:s30+$0x89A0]  }
0x180: {  	v53 =	vld [tilespmem:s30+$0xC9A0];
	_ =	sdelay $0x4  }
0x181: {  	v1 =	vadd.f32 v53, v1;
	_ =	sdelay $0x1  }
0x182: {  	[tilespmem:s29+$0x160] =	vst v1  }
0x183: {  	v1 =	vld [tilespmem:s30+$0x89B0]  }
0x184: {  	v54 =	vld [tilespmem:s30+$0xC9B0];
	_ =	sdelay $0x4  }
0x185: {  	v1 =	vadd.f32 v54, v1;
	_ =	sdelay $0x1  }
0x186: {  	[tilespmem:s29+$0x170] =	vst v1  }
0x187: {  	v1 =	vld [tilespmem:s30+$0x9C0];
	_ =	sdelay $0x1  }
0x188: {  	v55 =	vld [tilespmem:s30+$0x49C0]  }
0x189: {  	v56 =	vbroadcast v0, $0xE;
	_ =	sdelay $0x1  }
0x18a: {  	v1 =	vmul.f32 v1, v56;
	_ =	sdelay $0x1  }
0x18b: {  	v1 =	vadd.f32 v55, v1;
	_ =	sdelay $0x1  }
0x18c: {  	[tilespmem:s29+$0x180] =	vst v1  }
0x18d: {  	v1 =	vld [tilespmem:s30+$0x9D0];
	_ =	sdelay $0x1  }
0x18e: {  	v57 =	vld [tilespmem:s30+$0x49D0];
	_ =	sdelay $0x2  }
0x18f: {  	v1 =	vmul.f32 v1, v56;
	_ =	sdelay $0x1  }
0x190: {  	v1 =	vadd.f32 v57, v1;
	_ =	sdelay $0x1  }
0x191: {  	[tilespmem:s29+$0x190] =	vst v1  }
0x192: {  	v1 =	vld [tilespmem:s30+$0x89C0]  }
0x193: {  	v58 =	vld [tilespmem:s30+$0xC9C0];
	_ =	sdelay $0x4  }
0x194: {  	v1 =	vadd.f32 v58, v1;
	_ =	sdelay $0x1  }
0x195: {  	[tilespmem:s29+$0x1A0] =	vst v1  }
0x196: {  	v1 =	vld [tilespmem:s30+$0x89D0]  }
0x197: {  	v59 =	vld [tilespmem:s30+$0xC9D0];
	_ =	sdelay $0x4  }
0x198: {  	v1 =	vadd.f32 v59, v1;
	_ =	sdelay $0x1  }
0x199: {  	[tilespmem:s29+$0x1B0] =	vst v1  }
0x19a: {  	v1 =	vld [tilespmem:s30+$0x9E0];
	_ =	sdelay $0x1  }
0x19b: {  	v60 =	vld [tilespmem:s30+$0x49E0]  }
0x19c: {  	v0 =	vbroadcast v0, $0xF;
	_ =	sdelay $0x1  }
0x19d: {  	v1 =	vmul.f32 v1, v0;
	_ =	sdelay $0x1  }
0x19e: {  	v1 =	vadd.f32 v60, v1;
	_ =	sdelay $0x1  }
0x19f: {  	[tilespmem:s29+$0x1C0] =	vst v1  }
0x1a0: {  	v1 =	vld [tilespmem:s30+$0x9F0];
	_ =	sdelay $0x1  }
0x1a1: {  	v61 =	vld [tilespmem:s30+$0x49F0];
	_ =	sdelay $0x2  }
0x1a2: {  	v0 =	vmul.f32 v1, v0;
	_ =	sdelay $0x1  }
0x1a3: {  	v0 =	vadd.f32 v61, v0;
	_ =	sdelay $0x1  }
0x1a4: {  	[tilespmem:s29+$0x1D0] =	vst v0  }
0x1a5: {  	v0 =	vld [tilespmem:s30+$0x89E0]  }
0x1a6: {  	v62 =	vld [tilespmem:s30+$0xC9E0];
	_ =	sdelay $0x4  }
0x1a7: {  	v0 =	vadd.f32 v62, v0;
	_ =	sdelay $0x1  }
0x1a8: {  	[tilespmem:s29+$0x1E0] =	vst v0  }
0x1a9: {  	v0 =	vld [tilespmem:s30+$0x89F0]  }
0x1aa: {  	v63 =	vld [tilespmem:s30+$0xC9F0];
	_ =	sdelay $0x1  }
0x1ab: {  	p0 =	sne.s32 s25, $0xF800  }
.Ltmp1:
0x1ac: {  	_ = 	snop;
	(pc) =	sbr.rel @p0 .LBB2_4-.Ltmp1, $3  }
0x1ad: {  	_ = 	snop  }
0x1ae: {  	v0 =	vadd.f32 v63, v0;
	_ =	sdelay $0x1  }
0x1af: {  	s28 =	sadd.s32 $0x10, s28;
	s25 =	sadd.s32 $0x800, s25;
	[tilespmem:s29+$0x1F0] =	vst v0;
	s29 =	sadd.s32 $0x400, s29  }
0x1b0: {  	s24 =	sadd.s32 $0x1, s24  }
0x1b1: {  	p0 =	sne.s32 s24, s11  }
.Ltmp2:
0x1b2: {  	_ = 	snop;
	(pc) =	sbr.rel @p0 .LBB2_1-.Ltmp2, $4  }
0x1b3: {  	[hbm4b:s10+s2] =	stream.linear.scatter [tilespmem:s23], [sflag:$0x5], $0x8000, $0x38;
	[tilespmem:$0x18800] =	vst v63  }
0x1b4: {  	_ =	swait.ge [sflag:s12], $0x8000  }
0x1b5: {  	[sflag:s12] =	ssyncset.done $0x0  }
0x1b6: {  	[sflag:s12] =	ssyncadd.s32 $0xFFFF8000  }
0x1b7: {  	_ =	sfence.sel $0x180000  }
0x1b8: {  	[bflag:$0x0] =	sbarrier.arrive $0xFFFF  }
0x1b9: {  	_ =	strace $0x90000047  }
0x1ba: {  	s0 =	stileid.u32;
	[bflag:$0x2] =	sbarrier.arrive $0xFFFF  }
0x1bb: {  	p0 =	sne.s32 s0, $0x0;
	s0 =	rddreg [dreg:$0x3]  }
0x1bc: {  	s0 =	sadd.s32 @!p0 $0x100000, s0  }
0x1bd: {  	[sflag:s0] =	ssyncadd.tile.s32 @!p0 $0x1;
	_ =	shalt  }
.Lfunc_end2:
_tile_overlayer_lowered:
.L_overlay_start_2:
0x1be: {  	(tag) =	ssettag $0x2  }
0x1bf: {  	s0 =	rddreg [dreg:$0x0];
	s2 =	stileid.u32  }
0x1c0: {  	s1 =	rddreg [dreg:$0x1];
	p0 =	sne.s32 s2, $0x0  }
0x1c1: {  	s3 =	rddreg [dreg:$0x2];
	[bflag:$0x3] =	sbarrier.arrive $0xFFFF;
	s2 =	simm.s32 @!p0 $0x1C05  }
0x1c2: {  	[timem:s3], [sflag:s2] =	dma.local @!p0 [hbm:s0], s1  }
0x1c3: {  	s0 =	simm.s32 @!p0 $0x5  }
0x1c4: {  	_ =	swait.ge @!p0 [sflag:s0], s1  }
0x1c5: {  	s1 =	ssub.s32 @!p0 $0x0, s1;
	[sflag:s0] =	ssyncset.done @!p0 $0x0  }
0x1c6: {  	[sflag:s0] =	ssyncadd.s32 @!p0 s1  }
0x1c7: {  	[bflag:$0x3] =	sbarrier.arrive $0xFFFF  }
0x1c8: {  	_ =	shalt  }

</sc_bundles>
